<compile_context>
chip_gen: v7x
topology: tpu7x:2x2x1
jax: 0.10.2.dev20260603
libtpu: 0.0.44.dev20260713+nightly
codegen_flags: <defaults>
</compile_context>

<pallas_src>
import functools

import jax
import jax.numpy as jnp
from jax import lax
from jax.experimental import pallas as pl
from jax.experimental.pallas import tpu as pltpu
from jax.experimental.pallas import tpu_sc as plsc

_NC = 2
_NS = 16
_NW = _NC * _NS
_IDX_W = 128


def _make_pool(V, Dp, B, LIN):
    items_per_w = B // _NW
    flat_per_w = items_per_w * LIN
    n_groups = items_per_w // _IDX_W

    mesh = plsc.VectorSubcoreMesh(core_axis_name="c", subcore_axis_name="s")

    @functools.partial(
        pl.kernel,
        out_type=jax.ShapeDtypeStruct((B, Dp), jnp.float32),
        mesh=mesh,
        compiler_params=pltpu.CompilerParams(use_tc_tiling_on_sc=False),
        scratch_types=[
            pltpu.VMEM((flat_per_w,), jnp.int32),
        ]
        + [pltpu.VMEM((_IDX_W, Dp), jnp.float32)] * 4
        + [pltpu.SemaphoreType.DMA] * 4,
    )
    def pool(table_h, idxf_h, out_h,
             idx_v, ov0, ov1, ov2, ov3, sm0, sm1, sm2, sm3):
        wid = lax.axis_index("s") * _NC + lax.axis_index("c")
        outvs = (ov0, ov1, ov2, ov3)
        sems = (sm0, sm1, sm2, sm3)

        for j in range(LIN):
            pltpu.sync_copy(
                idxf_h.at[pl.ds(j * B + wid * items_per_w, items_per_w)],
                idx_v.at[pl.ds(j * items_per_w, items_per_w)])

        def start_gather(g, j, add):
            return pltpu.async_copy(
                table_h.at[idx_v.at[pl.ds(j * items_per_w + g * _IDX_W,
                                          _IDX_W)]],
                outvs[g], sems[g], add=add)

        hs = [start_gather(g, 0, False) for g in range(n_groups)]
        for j in range(1, LIN):
            for g in range(n_groups):
                hs[g].wait()
                hs[g] = start_gather(g, j, True)
        for g in range(n_groups):
            hs[g].wait()
            hs[g] = pltpu.async_copy(
                outvs[g],
                out_h.at[pl.ds(wid * items_per_w + g * _IDX_W, _IDX_W)],
                sems[g])
        for g in range(n_groups):
            hs[g].wait()

    return pool


def _pad_body(x_ref, o_ref):
    D = x_ref.shape[1]
    o_ref[:, :D] = x_ref[...]
    o_ref[:, D:] = jnp.zeros_like(o_ref[:, D:])


def _make_pad(V, D, Dp):
    blk = 10000
    return pl.pallas_call(
        _pad_body,
        grid=(V // blk,),
        in_specs=[pl.BlockSpec((blk, D), lambda i: (i, 0))],
        out_specs=pl.BlockSpec((blk, Dp), lambda i: (i, 0)),
        out_shape=jax.ShapeDtypeStruct((V, Dp), jnp.float32),
    )


def _mlp_body(x_ref, w1_ref, b1_ref, w2_ref, b2_ref, w3m_ref, b3_ref, o_ref):
    x = x_ref[...]
    h = jnp.dot(x, w1_ref[...], preferred_element_type=jnp.float32) + b1_ref[...]
    h = jnp.maximum(h, 0.0)
    h = jnp.dot(h, w2_ref[...], preferred_element_type=jnp.float32) + b2_ref[...]
    h = jnp.maximum(h, 0.0)
    r = jnp.dot(h, w3m_ref[...], preferred_element_type=jnp.float32)
    o_ref[...] = r[:, 0] + b3_ref[0]


def _make_mlp(B, Dp, H):
    blk = 4096
    grid = (B // blk,)
    return pl.pallas_call(
        _mlp_body,
        grid=grid,
        in_specs=[
            pl.BlockSpec((blk, Dp), lambda i: (i, 0)),
            pl.BlockSpec((Dp, H), lambda i: (0, 0)),
            pl.BlockSpec((1, H), lambda i: (0, 0)),
            pl.BlockSpec((H, H), lambda i: (0, 0)),
            pl.BlockSpec((1, H), lambda i: (0, 0)),
            pl.BlockSpec((H, H), lambda i: (0, 0)),
            pl.BlockSpec(memory_space=pltpu.SMEM),
        ],
        out_specs=pl.BlockSpec((blk,), lambda i: (i,)),
        out_shape=jax.ShapeDtypeStruct((B,), jnp.float32),
    )


def kernel(player_indices, table, W1, b1, W2, b2, W3, b3):
    B, LIN = player_indices.shape
    V, D = table.shape
    H = W1.shape[1]
    Dp = 128

    table_p = _make_pad(V, D, Dp)(table)

    idx_flat = player_indices.astype(jnp.int32).T.reshape(LIN * B)
    pooled = _make_pool(V, Dp, B, LIN)(table_p, idx_flat)

    W1p = jnp.pad(W1 * (1.0 / LIN), ((0, Dp - D), (0, 0)))
    W3m = jnp.pad(W3.reshape(H, 1), ((0, 0), (0, H - 1)))
    out = _make_mlp(B, Dp, H)(
        pooled, W1p, b1.reshape(1, H), W2, b2.reshape(1, H),
        W3m, b3)
    return out

# --- scband reference (transcript-rebuilt; emitter-appended) ---
"""Pipeline reference for scband-baseline-model-87205015978051 (READ-ONLY COPY).

The authoritative reference and input builder live on the scoring server;
editing this copy changes nothing except your own understanding.
"""

import jax, jax.numpy as jnp
import numpy as np

NUM_PLAYERS = 100000
EMBED_DIM = 64
HIDDEN_DIM = 128
BATCH = 16384
LINEUP = 5


def setup_inputs(seed: int = 0) -> dict:
    key = jax.random.key(seed)
    k_idx, k_tab, k_w1, k_w2, k_w3 = jax.random.split(key, 5)
    player_indices = jax.random.randint(k_idx, (BATCH, LINEUP), 0, NUM_PLAYERS, dtype=jnp.int64 if jax.config.jax_enable_x64 else jnp.int32)

    def xavier(k, shape):
        fan_in, fan_out = shape[0], shape[1]
        limit = jnp.sqrt(6.0 / (fan_in + fan_out))
        return jax.random.uniform(k, shape, jnp.float32, -limit, limit)

    table = xavier(k_tab, (NUM_PLAYERS, EMBED_DIM))
    W1 = xavier(k_w1, (EMBED_DIM, HIDDEN_DIM))
    b1 = jnp.zeros((HIDDEN_DIM,), jnp.float32)
    W2 = xavier(k_w2, (HIDDEN_DIM, HIDDEN_DIM))
    b2 = jnp.zeros((HIDDEN_DIM,), jnp.float32)
    W3 = xavier(k_w3, (HIDDEN_DIM, 1))
    b3 = jnp.zeros((1,), jnp.float32)
    return {"player_indices": player_indices, "table": table, "W1": W1, "b1": b1, "W2": W2, "b2": b2, "W3": W3, "b3": b3}


def reference(player_indices, table, W1, b1, W2, b2, W3, b3):
    # Embedding lookup: (B, 5, D)
    embeddings = jnp.take(table, player_indices, axis=0)
    # Average over lineup: (B, D)
    lineup_embedding = embeddings.mean(axis=1)
    # MLP (dropout is identity in eval mode)
    h = jax.nn.relu(lineup_embedding @ W1 + b1)
    h = jax.nn.relu(h @ W2 + b2)
    out = h @ W3 + b3
    return out.squeeze(-1)

if __name__ == "__main__":
    import jax
    _d = setup_inputs()
    print(jax.jit(kernel)(*tuple(_d.values())))

</pallas_src>

<mosaic_0001>
#map = affine_map<(d0, d1) -> (0, 0)>
#map1 = affine_map<(d0, d1) -> (0)>
module attributes {stable_mosaic.version = 14 : i64} {
  func.func @pool(%arg0: i32, %arg1: i32, %arg2: memref<100000x128xf32, #tpu.memory_space<hbm>>, %arg3: memref<81920xi32, #tpu.memory_space<hbm>>, %arg4: memref<16384x128xf32, #tpu.memory_space<hbm>>, %arg5: memref<2560xi32, #tpu.memory_space<vmem>>, %arg6: memref<128x128xf32, #tpu.memory_space<vmem>>, %arg7: memref<128x128xf32, #tpu.memory_space<vmem>>, %arg8: memref<128x128xf32, #tpu.memory_space<vmem>>, %arg9: memref<128x128xf32, #tpu.memory_space<vmem>>, %arg10: memref<!tpu.dma_semaphore, #tpu.memory_space<semaphore_mem>>, %arg11: memref<!tpu.dma_semaphore, #tpu.memory_space<semaphore_mem>>, %arg12: memref<!tpu.dma_semaphore, #tpu.memory_space<semaphore_mem>>, %arg13: memref<!tpu.dma_semaphore, #tpu.memory_space<semaphore_mem>>) attributes {dimension_semantics = [#tpu.dimension_semantics<core_parallel>, #tpu.dimension_semantics<subcore_parallel>], iteration_bounds = array<i64: 2, 16>, scalar_prefetch = 0 : i64, scratch_operands = 9 : i64, tpu.core_type = #tpu.core_type<sc_vector_subcore>, window_params = [{transform_indices = #map}, {transform_indices = #map1}, {transform_indices = #map}]} {
    %mul3A = arith.constant 2 : i32
    %mul3A_0 = arith.muli %arg1, %mul3A : i32
    %add3A = arith.addi %mul3A_0, %arg0 : i32
    %mul3A_1 = arith.constant 512 : i32
    %mul3A_2 = arith.muli %add3A, %mul3A_1 : i32
    %add3A_3 = arith.constant 0 : i32
    %add3A_4 = arith.addi %add3A_3, %mul3A_2 : i32
    "tpu.region"() ({
      %run_scoped3A = tpu.sem_alloc : memref<!tpu.dma_semaphore, #tpu.memory_space<semaphore_mem>>
      %dma_start3A_267 = arith.constant 0 : i32
      %dma_start3A_268 = tpu.memref_slice %arg5[%dma_start3A_267] : memref<2560xi32, #tpu.memory_space<vmem>> -> memref<512xi32, #tpu.memory_space<vmem>>
      %dma_start3A_269 = tpu.memref_slice %arg3[%add3A_4] : memref<81920xi32, #tpu.memory_space<hbm>> -> memref<512xi32, #tpu.memory_space<hbm>>
      %dma_start3A_270 = arith.constant 0 : i32
      %dma_start3A_271 = tpu.memref_slice %arg5[%dma_start3A_270] : memref<2560xi32, #tpu.memory_space<vmem>> -> memref<512xi32, #tpu.memory_space<vmem>>
      %dma_start3A_272 = tpu.memref_slice %arg3[%add3A_4] : memref<81920xi32, #tpu.memory_space<hbm>> -> memref<512xi32, #tpu.memory_space<hbm>>
      tpu.enqueue_dma source(%dma_start3A_272 : memref<512xi32, #tpu.memory_space<hbm>>) target(%dma_start3A_271 : memref<512xi32, #tpu.memory_space<vmem>>) target_semaphore(%run_scoped3A : memref<!tpu.dma_semaphore, #tpu.memory_space<semaphore_mem>>)
      %dma_wait3A_273 = arith.constant 0 : i32
      %dma_wait3A_274 = tpu.memref_slice %arg5[%dma_wait3A_273] : memref<2560xi32, #tpu.memory_space<vmem>> -> memref<512xi32, #tpu.memory_space<vmem>>
      %dma_wait3A_275 = tpu.memref_slice %arg3[%add3A_4] : memref<81920xi32, #tpu.memory_space<hbm>> -> memref<512xi32, #tpu.memory_space<hbm>>
      %dma_wait3A_276 = arith.constant 0 : i32
      %dma_wait3A_277 = tpu.memref_slice %arg5[%dma_wait3A_276] : memref<2560xi32, #tpu.memory_space<vmem>> -> memref<512xi32, #tpu.memory_space<vmem>>
      %dma_wait3A_278 = tpu.memref_slice %arg3[%add3A_4] : memref<81920xi32, #tpu.memory_space<hbm>> -> memref<512xi32, #tpu.memory_space<hbm>>
      tpu.wait_dma2 semaphore(%run_scoped3A : memref<!tpu.dma_semaphore, #tpu.memory_space<semaphore_mem>>) src(%dma_wait3A_278 : memref<512xi32, #tpu.memory_space<hbm>>) dst(%dma_wait3A_277 : memref<512xi32, #tpu.memory_space<vmem>>)
      tpu.yield
    }) : () -> ()
    %mul3A_5 = arith.constant 512 : i32
    %mul3A_6 = arith.muli %add3A, %mul3A_5 : i32
    %add3A_7 = arith.constant 16384 : i32
    %add3A_8 = arith.addi %add3A_7, %mul3A_6 : i32
    "tpu.region"() ({
      %run_scoped3A = tpu.sem_alloc : memref<!tpu.dma_semaphore, #tpu.memory_space<semaphore_mem>>
      %dma_start3A_267 = arith.constant 512 : i32
      %dma_start3A_268 = tpu.memref_slice %arg5[%dma_start3A_267] : memref<2560xi32, #tpu.memory_space<vmem>> -> memref<512xi32, #tpu.memory_space<vmem>>
      %dma_start3A_269 = tpu.memref_slice %arg3[%add3A_8] : memref<81920xi32, #tpu.memory_space<hbm>> -> memref<512xi32, #tpu.memory_space<hbm>>
      %dma_start3A_270 = arith.constant 512 : i32
      %dma_start3A_271 = tpu.memref_slice %arg5[%dma_start3A_270] : memref<2560xi32, #tpu.memory_space<vmem>> -> memref<512xi32, #tpu.memory_space<vmem>>
      %dma_start3A_272 = tpu.memref_slice %arg3[%add3A_8] : memref<81920xi32, #tpu.memory_space<hbm>> -> memref<512xi32, #tpu.memory_space<hbm>>
      tpu.enqueue_dma source(%dma_start3A_272 : memref<512xi32, #tpu.memory_space<hbm>>) target(%dma_start3A_271 : memref<512xi32, #tpu.memory_space<vmem>>) target_semaphore(%run_scoped3A : memref<!tpu.dma_semaphore, #tpu.memory_space<semaphore_mem>>)
      %dma_wait3A_273 = arith.constant 512 : i32
      %dma_wait3A_274 = tpu.memref_slice %arg5[%dma_wait3A_273] : memref<2560xi32, #tpu.memory_space<vmem>> -> memref<512xi32, #tpu.memory_space<vmem>>
      %dma_wait3A_275 = tpu.memref_slice %arg3[%add3A_8] : memref<81920xi32, #tpu.memory_space<hbm>> -> memref<512xi32, #tpu.memory_space<hbm>>
      %dma_wait3A_276 = arith.constant 512 : i32
      %dma_wait3A_277 = tpu.memref_slice %arg5[%dma_wait3A_276] : memref<2560xi32, #tpu.memory_space<vmem>> -> memref<512xi32, #tpu.memory_space<vmem>>
      %dma_wait3A_278 = tpu.memref_slice %arg3[%add3A_8] : memref<81920xi32, #tpu.memory_space<hbm>> -> memref<512xi32, #tpu.memory_space<hbm>>
      tpu.wait_dma2 semaphore(%run_scoped3A : memref<!tpu.dma_semaphore, #tpu.memory_space<semaphore_mem>>) src(%dma_wait3A_278 : memref<512xi32, #tpu.memory_space<hbm>>) dst(%dma_wait3A_277 : memref<512xi32, #tpu.memory_space<vmem>>)
      tpu.yield
    }) : () -> ()
    %mul3A_9 = arith.constant 512 : i32
    %mul3A_10 = arith.muli %add3A, %mul3A_9 : i32
    %add3A_11 = arith.constant 32768 : i32
    %add3A_12 = arith.addi %add3A_11, %mul3A_10 : i32
    "tpu.region"() ({
      %run_scoped3A = tpu.sem_alloc : memref<!tpu.dma_semaphore, #tpu.memory_space<semaphore_mem>>
      %dma_start3A_267 = arith.constant 1024 : i32
      %dma_start3A_268 = tpu.memref_slice %arg5[%dma_start3A_267] : memref<2560xi32, #tpu.memory_space<vmem>> -> memref<512xi32, #tpu.memory_space<vmem>>
      %dma_start3A_269 = tpu.memref_slice %arg3[%add3A_12] : memref<81920xi32, #tpu.memory_space<hbm>> -> memref<512xi32, #tpu.memory_space<hbm>>
      %dma_start3A_270 = arith.constant 1024 : i32
      %dma_start3A_271 = tpu.memref_slice %arg5[%dma_start3A_270] : memref<2560xi32, #tpu.memory_space<vmem>> -> memref<512xi32, #tpu.memory_space<vmem>>
      %dma_start3A_272 = tpu.memref_slice %arg3[%add3A_12] : memref<81920xi32, #tpu.memory_space<hbm>> -> memref<512xi32, #tpu.memory_space<hbm>>
      tpu.enqueue_dma source(%dma_start3A_272 : memref<512xi32, #tpu.memory_space<hbm>>) target(%dma_start3A_271 : memref<512xi32, #tpu.memory_space<vmem>>) target_semaphore(%run_scoped3A : memref<!tpu.dma_semaphore, #tpu.memory_space<semaphore_mem>>)
      %dma_wait3A_273 = arith.constant 1024 : i32
      %dma_wait3A_274 = tpu.memref_slice %arg5[%dma_wait3A_273] : memref<2560xi32, #tpu.memory_space<vmem>> -> memref<512xi32, #tpu.memory_space<vmem>>
      %dma_wait3A_275 = tpu.memref_slice %arg3[%add3A_12] : memref<81920xi32, #tpu.memory_space<hbm>> -> memref<512xi32, #tpu.memory_space<hbm>>
      %dma_wait3A_276 = arith.constant 1024 : i32
      %dma_wait3A_277 = tpu.memref_slice %arg5[%dma_wait3A_276] : memref<2560xi32, #tpu.memory_space<vmem>> -> memref<512xi32, #tpu.memory_space<vmem>>
      %dma_wait3A_278 = tpu.memref_slice %arg3[%add3A_12] : memref<81920xi32, #tpu.memory_space<hbm>> -> memref<512xi32, #tpu.memory_space<hbm>>
      tpu.wait_dma2 semaphore(%run_scoped3A : memref<!tpu.dma_semaphore, #tpu.memory_space<semaphore_mem>>) src(%dma_wait3A_278 : memref<512xi32, #tpu.memory_space<hbm>>) dst(%dma_wait3A_277 : memref<512xi32, #tpu.memory_space<vmem>>)
      tpu.yield
    }) : () -> ()
    %mul3A_13 = arith.constant 512 : i32
    %mul3A_14 = arith.muli %add3A, %mul3A_13 : i32
    %add3A_15 = arith.constant 49152 : i32
    %add3A_16 = arith.addi %add3A_15, %mul3A_14 : i32
    "tpu.region"() ({
      %run_scoped3A = tpu.sem_alloc : memref<!tpu.dma_semaphore, #tpu.memory_space<semaphore_mem>>
      %dma_start3A_267 = arith.constant 1536 : i32
      %dma_start3A_268 = tpu.memref_slice %arg5[%dma_start3A_267] : memref<2560xi32, #tpu.memory_space<vmem>> -> memref<512xi32, #tpu.memory_space<vmem>>
      %dma_start3A_269 = tpu.memref_slice %arg3[%add3A_16] : memref<81920xi32, #tpu.memory_space<hbm>> -> memref<512xi32, #tpu.memory_space<hbm>>
      %dma_start3A_270 = arith.constant 1536 : i32
      %dma_start3A_271 = tpu.memref_slice %arg5[%dma_start3A_270] : memref<2560xi32, #tpu.memory_space<vmem>> -> memref<512xi32, #tpu.memory_space<vmem>>
      %dma_start3A_272 = tpu.memref_slice %arg3[%add3A_16] : memref<81920xi32, #tpu.memory_space<hbm>> -> memref<512xi32, #tpu.memory_space<hbm>>
      tpu.enqueue_dma source(%dma_start3A_272 : memref<512xi32, #tpu.memory_space<hbm>>) target(%dma_start3A_271 : memref<512xi32, #tpu.memory_space<vmem>>) target_semaphore(%run_scoped3A : memref<!tpu.dma_semaphore, #tpu.memory_space<semaphore_mem>>)
      %dma_wait3A_273 = arith.constant 1536 : i32
      %dma_wait3A_274 = tpu.memref_slice %arg5[%dma_wait3A_273] : memref<2560xi32, #tpu.memory_space<vmem>> -> memref<512xi32, #tpu.memory_space<vmem>>
      %dma_wait3A_275 = tpu.memref_slice %arg3[%add3A_16] : memref<81920xi32, #tpu.memory_space<hbm>> -> memref<512xi32, #tpu.memory_space<hbm>>
      %dma_wait3A_276 = arith.constant 1536 : i32
      %dma_wait3A_277 = tpu.memref_slice %arg5[%dma_wait3A_276] : memref<2560xi32, #tpu.memory_space<vmem>> -> memref<512xi32, #tpu.memory_space<vmem>>
      %dma_wait3A_278 = tpu.memref_slice %arg3[%add3A_16] : memref<81920xi32, #tpu.memory_space<hbm>> -> memref<512xi32, #tpu.memory_space<hbm>>
      tpu.wait_dma2 semaphore(%run_scoped3A : memref<!tpu.dma_semaphore, #tpu.memory_space<semaphore_mem>>) src(%dma_wait3A_278 : memref<512xi32, #tpu.memory_space<hbm>>) dst(%dma_wait3A_277 : memref<512xi32, #tpu.memory_space<vmem>>)
      tpu.yield
    }) : () -> ()
    %mul3A_17 = arith.constant 512 : i32
    %mul3A_18 = arith.muli %add3A, %mul3A_17 : i32
    %add3A_19 = arith.constant 65536 : i32
    %add3A_20 = arith.addi %add3A_19, %mul3A_18 : i32
    "tpu.region"() ({
      %run_scoped3A = tpu.sem_alloc : memref<!tpu.dma_semaphore, #tpu.memory_space<semaphore_mem>>
      %dma_start3A_267 = arith.constant 2048 : i32
      %dma_start3A_268 = tpu.memref_slice %arg5[%dma_start3A_267] : memref<2560xi32, #tpu.memory_space<vmem>> -> memref<512xi32, #tpu.memory_space<vmem>>
      %dma_start3A_269 = tpu.memref_slice %arg3[%add3A_20] : memref<81920xi32, #tpu.memory_space<hbm>> -> memref<512xi32, #tpu.memory_space<hbm>>
      %dma_start3A_270 = arith.constant 2048 : i32
      %dma_start3A_271 = tpu.memref_slice %arg5[%dma_start3A_270] : memref<2560xi32, #tpu.memory_space<vmem>> -> memref<512xi32, #tpu.memory_space<vmem>>
      %dma_start3A_272 = tpu.memref_slice %arg3[%add3A_20] : memref<81920xi32, #tpu.memory_space<hbm>> -> memref<512xi32, #tpu.memory_space<hbm>>
      tpu.enqueue_dma source(%dma_start3A_272 : memref<512xi32, #tpu.memory_space<hbm>>) target(%dma_start3A_271 : memref<512xi32, #tpu.memory_space<vmem>>) target_semaphore(%run_scoped3A : memref<!tpu.dma_semaphore, #tpu.memory_space<semaphore_mem>>)
      %dma_wait3A_273 = arith.constant 2048 : i32
      %dma_wait3A_274 = tpu.memref_slice %arg5[%dma_wait3A_273] : memref<2560xi32, #tpu.memory_space<vmem>> -> memref<512xi32, #tpu.memory_space<vmem>>
      %dma_wait3A_275 = tpu.memref_slice %arg3[%add3A_20] : memref<81920xi32, #tpu.memory_space<hbm>> -> memref<512xi32, #tpu.memory_space<hbm>>
      %dma_wait3A_276 = arith.constant 2048 : i32
      %dma_wait3A_277 = tpu.memref_slice %arg5[%dma_wait3A_276] : memref<2560xi32, #tpu.memory_space<vmem>> -> memref<512xi32, #tpu.memory_space<vmem>>
      %dma_wait3A_278 = tpu.memref_slice %arg3[%add3A_20] : memref<81920xi32, #tpu.memory_space<hbm>> -> memref<512xi32, #tpu.memory_space<hbm>>
      tpu.wait_dma2 semaphore(%run_scoped3A : memref<!tpu.dma_semaphore, #tpu.memory_space<semaphore_mem>>) src(%dma_wait3A_278 : memref<512xi32, #tpu.memory_space<hbm>>) dst(%dma_wait3A_277 : memref<512xi32, #tpu.memory_space<vmem>>)
      tpu.yield
    }) : () -> ()
    %dma_start3A = arith.constant 0 : i32
    %dma_start3A_21 = tpu.memref_slice %arg5[%dma_start3A] : memref<2560xi32, #tpu.memory_space<vmem>> -> memref<128xi32, #tpu.memory_space<vmem>>
    %dma_start3A_22 = arith.constant 0 : i32
    %dma_start3A_23 = arith.constant 0 : i32
    %dma_start3A_24 = tpu.memref_slice %arg2[%dma_start3A_22, %dma_start3A_23] : memref<100000x128xf32, #tpu.memory_space<hbm>> -> memref<100000x128xf32, #tpu.memory_space<hbm>>
    tpu.enqueue_indirect_dma source(%dma_start3A_24 : memref<100000x128xf32, #tpu.memory_space<hbm>>) target(%arg6 : memref<128x128xf32, #tpu.memory_space<vmem>>) offsets(%dma_start3A_21 : memref<128xi32, #tpu.memory_space<vmem>>) semaphore(%arg10 : memref<!tpu.dma_semaphore, #tpu.memory_space<semaphore_mem>>)
    %dma_start3A_25 = arith.constant 128 : i32
    %dma_start3A_26 = tpu.memref_slice %arg5[%dma_start3A_25] : memref<2560xi32, #tpu.memory_space<vmem>> -> memref<128xi32, #tpu.memory_space<vmem>>
    %dma_start3A_27 = arith.constant 0 : i32
    %dma_start3A_28 = arith.constant 0 : i32
    %dma_start3A_29 = tpu.memref_slice %arg2[%dma_start3A_27, %dma_start3A_28] : memref<100000x128xf32, #tpu.memory_space<hbm>> -> memref<100000x128xf32, #tpu.memory_space<hbm>>
    tpu.enqueue_indirect_dma source(%dma_start3A_29 : memref<100000x128xf32, #tpu.memory_space<hbm>>) target(%arg7 : memref<128x128xf32, #tpu.memory_space<vmem>>) offsets(%dma_start3A_26 : memref<128xi32, #tpu.memory_space<vmem>>) semaphore(%arg11 : memref<!tpu.dma_semaphore, #tpu.memory_space<semaphore_mem>>)
    %dma_start3A_30 = arith.constant 256 : i32
    %dma_start3A_31 = tpu.memref_slice %arg5[%dma_start3A_30] : memref<2560xi32, #tpu.memory_space<vmem>> -> memref<128xi32, #tpu.memory_space<vmem>>
    %dma_start3A_32 = arith.constant 0 : i32
    %dma_start3A_33 = arith.constant 0 : i32
    %dma_start3A_34 = tpu.memref_slice %arg2[%dma_start3A_32, %dma_start3A_33] : memref<100000x128xf32, #tpu.memory_space<hbm>> -> memref<100000x128xf32, #tpu.memory_space<hbm>>
    tpu.enqueue_indirect_dma source(%dma_start3A_34 : memref<100000x128xf32, #tpu.memory_space<hbm>>) target(%arg8 : memref<128x128xf32, #tpu.memory_space<vmem>>) offsets(%dma_start3A_31 : memref<128xi32, #tpu.memory_space<vmem>>) semaphore(%arg12 : memref<!tpu.dma_semaphore, #tpu.memory_space<semaphore_mem>>)
    %dma_start3A_35 = arith.constant 384 : i32
    %dma_start3A_36 = tpu.memref_slice %arg5[%dma_start3A_35] : memref<2560xi32, #tpu.memory_space<vmem>> -> memref<128xi32, #tpu.memory_space<vmem>>
    %dma_start3A_37 = arith.constant 0 : i32
    %dma_start3A_38 = arith.constant 0 : i32
    %dma_start3A_39 = tpu.memref_slice %arg2[%dma_start3A_37, %dma_start3A_38] : memref<100000x128xf32, #tpu.memory_space<hbm>> -> memref<100000x128xf32, #tpu.memory_space<hbm>>
    tpu.enqueue_indirect_dma source(%dma_start3A_39 : memref<100000x128xf32, #tpu.memory_space<hbm>>) target(%arg9 : memref<128x128xf32, #tpu.memory_space<vmem>>) offsets(%dma_start3A_36 : memref<128xi32, #tpu.memory_space<vmem>>) semaphore(%arg13 : memref<!tpu.dma_semaphore, #tpu.memory_space<semaphore_mem>>)
    %dma_wait3A = arith.constant 0 : i32
    %dma_wait3A_40 = tpu.memref_slice %arg5[%dma_wait3A] : memref<2560xi32, #tpu.memory_space<vmem>> -> memref<128xi32, #tpu.memory_space<vmem>>
    %dma_wait3A_41 = arith.constant 0 : i32
    %dma_wait3A_42 = arith.constant 0 : i32
    %dma_wait3A_43 = tpu.memref_slice %arg2[%dma_wait3A_41, %dma_wait3A_42] : memref<100000x128xf32, #tpu.memory_space<hbm>> -> memref<100000x128xf32, #tpu.memory_space<hbm>>
    tpu.wait_indirect_dma semaphore(%arg10 : memref<!tpu.dma_semaphore, #tpu.memory_space<semaphore_mem>>) src(%dma_wait3A_43 : memref<100000x128xf32, #tpu.memory_space<hbm>>) dst(%arg6 : memref<128x128xf32, #tpu.memory_space<vmem>>)
    %dma_start3A_44 = arith.constant 512 : i32
    %dma_start3A_45 = tpu.memref_slice %arg5[%dma_start3A_44] : memref<2560xi32, #tpu.memory_space<vmem>> -> memref<128xi32, #tpu.memory_space<vmem>>
    %dma_start3A_46 = arith.constant 0 : i32
    %dma_start3A_47 = arith.constant 0 : i32
    %dma_start3A_48 = tpu.memref_slice %arg2[%dma_start3A_46, %dma_start3A_47] : memref<100000x128xf32, #tpu.memory_space<hbm>> -> memref<100000x128xf32, #tpu.memory_space<hbm>>
    tpu.enqueue_indirect_dma source(%dma_start3A_48 : memref<100000x128xf32, #tpu.memory_space<hbm>>) target(%arg6 : memref<128x128xf32, #tpu.memory_space<vmem>>) offsets(%dma_start3A_45 : memref<128xi32, #tpu.memory_space<vmem>>) semaphore(%arg10 : memref<!tpu.dma_semaphore, #tpu.memory_space<semaphore_mem>>) {add = true}
    %dma_wait3A_49 = arith.constant 128 : i32
    %dma_wait3A_50 = tpu.memref_slice %arg5[%dma_wait3A_49] : memref<2560xi32, #tpu.memory_space<vmem>> -> memref<128xi32, #tpu.memory_space<vmem>>
    %dma_wait3A_51 = arith.constant 0 : i32
    %dma_wait3A_52 = arith.constant 0 : i32
    %dma_wait3A_53 = tpu.memref_slice %arg2[%dma_wait3A_51, %dma_wait3A_52] : memref<100000x128xf32, #tpu.memory_space<hbm>> -> memref<100000x128xf32, #tpu.memory_space<hbm>>
    tpu.wait_indirect_dma semaphore(%arg11 : memref<!tpu.dma_semaphore, #tpu.memory_space<semaphore_mem>>) src(%dma_wait3A_53 : memref<100000x128xf32, #tpu.memory_space<hbm>>) dst(%arg7 : memref<128x128xf32, #tpu.memory_space<vmem>>)
    %dma_start3A_54 = arith.constant 640 : i32
    %dma_start3A_55 = tpu.memref_slice %arg5[%dma_start3A_54] : memref<2560xi32, #tpu.memory_space<vmem>> -> memref<128xi32, #tpu.memory_space<vmem>>
    %dma_start3A_56 = arith.constant 0 : i32
    %dma_start3A_57 = arith.constant 0 : i32
    %dma_start3A_58 = tpu.memref_slice %arg2[%dma_start3A_56, %dma_start3A_57] : memref<100000x128xf32, #tpu.memory_space<hbm>> -> memref<100000x128xf32, #tpu.memory_space<hbm>>
    tpu.enqueue_indirect_dma source(%dma_start3A_58 : memref<100000x128xf32, #tpu.memory_space<hbm>>) target(%arg7 : memref<128x128xf32, #tpu.memory_space<vmem>>) offsets(%dma_start3A_55 : memref<128xi32, #tpu.memory_space<vmem>>) semaphore(%arg11 : memref<!tpu.dma_semaphore, #tpu.memory_space<semaphore_mem>>) {add = true}
    %dma_wait3A_59 = arith.constant 256 : i32
    %dma_wait3A_60 = tpu.memref_slice %arg5[%dma_wait3A_59] : memref<2560xi32, #tpu.memory_space<vmem>> -> memref<128xi32, #tpu.memory_space<vmem>>
    %dma_wait3A_61 = arith.constant 0 : i32
    %dma_wait3A_62 = arith.constant 0 : i32
    %dma_wait3A_63 = tpu.memref_slice %arg2[%dma_wait3A_61, %dma_wait3A_62] : memref<100000x128xf32, #tpu.memory_space<hbm>> -> memref<100000x128xf32, #tpu.memory_space<hbm>>
    tpu.wait_indirect_dma semaphore(%arg12 : memref<!tpu.dma_semaphore, #tpu.memory_space<semaphore_mem>>) src(%dma_wait3A_63 : memref<100000x128xf32, #tpu.memory_space<hbm>>) dst(%arg8 : memref<128x128xf32, #tpu.memory_space<vmem>>)
    %dma_start3A_64 = arith.constant 768 : i32
    %dma_start3A_65 = tpu.memref_slice %arg5[%dma_start3A_64] : memref<2560xi32, #tpu.memory_space<vmem>> -> memref<128xi32, #tpu.memory_space<vmem>>
    %dma_start3A_66 = arith.constant 0 : i32
    %dma_start3A_67 = arith.constant 0 : i32
    %dma_start3A_68 = tpu.memref_slice %arg2[%dma_start3A_66, %dma_start3A_67] : memref<100000x128xf32, #tpu.memory_space<hbm>> -> memref<100000x128xf32, #tpu.memory_space<hbm>>
    tpu.enqueue_indirect_dma source(%dma_start3A_68 : memref<100000x128xf32, #tpu.memory_space<hbm>>) target(%arg8 : memref<128x128xf32, #tpu.memory_space<vmem>>) offsets(%dma_start3A_65 : memref<128xi32, #tpu.memory_space<vmem>>) semaphore(%arg12 : memref<!tpu.dma_semaphore, #tpu.memory_space<semaphore_mem>>) {add = true}
    %dma_wait3A_69 = arith.constant 384 : i32
    %dma_wait3A_70 = tpu.memref_slice %arg5[%dma_wait3A_69] : memref<2560xi32, #tpu.memory_space<vmem>> -> memref<128xi32, #tpu.memory_space<vmem>>
    %dma_wait3A_71 = arith.constant 0 : i32
    %dma_wait3A_72 = arith.constant 0 : i32
    %dma_wait3A_73 = tpu.memref_slice %arg2[%dma_wait3A_71, %dma_wait3A_72] : memref<100000x128xf32, #tpu.memory_space<hbm>> -> memref<100000x128xf32, #tpu.memory_space<hbm>>
    tpu.wait_indirect_dma semaphore(%arg13 : memref<!tpu.dma_semaphore, #tpu.memory_space<semaphore_mem>>) src(%dma_wait3A_73 : memref<100000x128xf32, #tpu.memory_space<hbm>>) dst(%arg9 : memref<128x128xf32, #tpu.memory_space<vmem>>)
    %dma_start3A_74 = arith.constant 896 : i32
    %dma_start3A_75 = tpu.memref_slice %arg5[%dma_start3A_74] : memref<2560xi32, #tpu.memory_space<vmem>> -> memref<128xi32, #tpu.memory_space<vmem>>
    %dma_start3A_76 = arith.constant 0 : i32
    %dma_start3A_77 = arith.constant 0 : i32
    %dma_start3A_78 = tpu.memref_slice %arg2[%dma_start3A_76, %dma_start3A_77] : memref<100000x128xf32, #tpu.memory_space<hbm>> -> memref<100000x128xf32, #tpu.memory_space<hbm>>
    tpu.enqueue_indirect_dma source(%dma_start3A_78 : memref<100000x128xf32, #tpu.memory_space<hbm>>) target(%arg9 : memref<128x128xf32, #tpu.memory_space<vmem>>) offsets(%dma_start3A_75 : memref<128xi32, #tpu.memory_space<vmem>>) semaphore(%arg13 : memref<!tpu.dma_semaphore, #tpu.memory_space<semaphore_mem>>) {add = true}
    %dma_wait3A_79 = arith.constant 512 : i32
    %dma_wait3A_80 = tpu.memref_slice %arg5[%dma_wait3A_79] : memref<2560xi32, #tpu.memory_space<vmem>> -> memref<128xi32, #tpu.memory_space<vmem>>
    %dma_wait3A_81 = arith.constant 0 : i32
    %dma_wait3A_82 = arith.constant 0 : i32
    %dma_wait3A_83 = tpu.memref_slice %arg2[%dma_wait3A_81, %dma_wait3A_82] : memref<100000x128xf32, #tpu.memory_space<hbm>> -> memref<100000x128xf32, #tpu.memory_space<hbm>>
    tpu.wait_indirect_dma semaphore(%arg10 : memref<!tpu.dma_semaphore, #tpu.memory_space<semaphore_mem>>) src(%dma_wait3A_83 : memref<100000x128xf32, #tpu.memory_space<hbm>>) dst(%arg6 : memref<128x128xf32, #tpu.memory_space<vmem>>)
    %dma_start3A_84 = arith.constant 1024 : i32
    %dma_start3A_85 = tpu.memref_slice %arg5[%dma_start3A_84] : memref<2560xi32, #tpu.memory_space<vmem>> -> memref<128xi32, #tpu.memory_space<vmem>>
    %dma_start3A_86 = arith.constant 0 : i32
    %dma_start3A_87 = arith.constant 0 : i32
    %dma_start3A_88 = tpu.memref_slice %arg2[%dma_start3A_86, %dma_start3A_87] : memref<100000x128xf32, #tpu.memory_space<hbm>> -> memref<100000x128xf32, #tpu.memory_space<hbm>>
    tpu.enqueue_indirect_dma source(%dma_start3A_88 : memref<100000x128xf32, #tpu.memory_space<hbm>>) target(%arg6 : memref<128x128xf32, #tpu.memory_space<vmem>>) offsets(%dma_start3A_85 : memref<128xi32, #tpu.memory_space<vmem>>) semaphore(%arg10 : memref<!tpu.dma_semaphore, #tpu.memory_space<semaphore_mem>>) {add = true}
    %dma_wait3A_89 = arith.constant 640 : i32
    %dma_wait3A_90 = tpu.memref_slice %arg5[%dma_wait3A_89] : memref<2560xi32, #tpu.memory_space<vmem>> -> memref<128xi32, #tpu.memory_space<vmem>>
    %dma_wait3A_91 = arith.constant 0 : i32
    %dma_wait3A_92 = arith.constant 0 : i32
    %dma_wait3A_93 = tpu.memref_slice %arg2[%dma_wait3A_91, %dma_wait3A_92] : memref<100000x128xf32, #tpu.memory_space<hbm>> -> memref<100000x128xf32, #tpu.memory_space<hbm>>
    tpu.wait_indirect_dma semaphore(%arg11 : memref<!tpu.dma_semaphore, #tpu.memory_space<semaphore_mem>>) src(%dma_wait3A_93 : memref<100000x128xf32, #tpu.memory_space<hbm>>) dst(%arg7 : memref<128x128xf32, #tpu.memory_space<vmem>>)
    %dma_start3A_94 = arith.constant 1152 : i32
    %dma_start3A_95 = tpu.memref_slice %arg5[%dma_start3A_94] : memref<2560xi32, #tpu.memory_space<vmem>> -> memref<128xi32, #tpu.memory_space<vmem>>
    %dma_start3A_96 = arith.constant 0 : i32
    %dma_start3A_97 = arith.constant 0 : i32
    %dma_start3A_98 = tpu.memref_slice %arg2[%dma_start3A_96, %dma_start3A_97] : memref<100000x128xf32, #tpu.memory_space<hbm>> -> memref<100000x128xf32, #tpu.memory_space<hbm>>
    tpu.enqueue_indirect_dma source(%dma_start3A_98 : memref<100000x128xf32, #tpu.memory_space<hbm>>) target(%arg7 : memref<128x128xf32, #tpu.memory_space<vmem>>) offsets(%dma_start3A_95 : memref<128xi32, #tpu.memory_space<vmem>>) semaphore(%arg11 : memref<!tpu.dma_semaphore, #tpu.memory_space<semaphore_mem>>) {add = true}
    %dma_wait3A_99 = arith.constant 768 : i32
    %dma_wait3A_100 = tpu.memref_slice %arg5[%dma_wait3A_99] : memref<2560xi32, #tpu.memory_space<vmem>> -> memref<128xi32, #tpu.memory_space<vmem>>
    %dma_wait3A_101 = arith.constant 0 : i32
    %dma_wait3A_102 = arith.constant 0 : i32
    %dma_wait3A_103 = tpu.memref_slice %arg2[%dma_wait3A_101, %dma_wait3A_102] : memref<100000x128xf32, #tpu.memory_space<hbm>> -> memref<100000x128xf32, #tpu.memory_space<hbm>>
    tpu.wait_indirect_dma semaphore(%arg12 : memref<!tpu.dma_semaphore, #tpu.memory_space<semaphore_mem>>) src(%dma_wait3A_103 : memref<100000x128xf32, #tpu.memory_space<hbm>>) dst(%arg8 : memref<128x128xf32, #tpu.memory_space<vmem>>)
    %dma_start3A_104 = arith.constant 1280 : i32
    %dma_start3A_105 = tpu.memref_slice %arg5[%dma_start3A_104] : memref<2560xi32, #tpu.memory_space<vmem>> -> memref<128xi32, #tpu.memory_space<vmem>>
    %dma_start3A_106 = arith.constant 0 : i32
    %dma_start3A_107 = arith.constant 0 : i32
    %dma_start3A_108 = tpu.memref_slice %arg2[%dma_start3A_106, %dma_start3A_107] : memref<100000x128xf32, #tpu.memory_space<hbm>> -> memref<100000x128xf32, #tpu.memory_space<hbm>>
    tpu.enqueue_indirect_dma source(%dma_start3A_108 : memref<100000x128xf32, #tpu.memory_space<hbm>>) target(%arg8 : memref<128x128xf32, #tpu.memory_space<vmem>>) offsets(%dma_start3A_105 : memref<128xi32, #tpu.memory_space<vmem>>) semaphore(%arg12 : memref<!tpu.dma_semaphore, #tpu.memory_space<semaphore_mem>>) {add = true}
    %dma_wait3A_109 = arith.constant 896 : i32
    %dma_wait3A_110 = tpu.memref_slice %arg5[%dma_wait3A_109] : memref<2560xi32, #tpu.memory_space<vmem>> -> memref<128xi32, #tpu.memory_space<vmem>>
    %dma_wait3A_111 = arith.constant 0 : i32
    %dma_wait3A_112 = arith.constant 0 : i32
    %dma_wait3A_113 = tpu.memref_slice %arg2[%dma_wait3A_111, %dma_wait3A_112] : memref<100000x128xf32, #tpu.memory_space<hbm>> -> memref<100000x128xf32, #tpu.memory_space<hbm>>
    tpu.wait_indirect_dma semaphore(%arg13 : memref<!tpu.dma_semaphore, #tpu.memory_space<semaphore_mem>>) src(%dma_wait3A_113 : memref<100000x128xf32, #tpu.memory_space<hbm>>) dst(%arg9 : memref<128x128xf32, #tpu.memory_space<vmem>>)
    %dma_start3A_114 = arith.constant 1408 : i32
    %dma_start3A_115 = tpu.memref_slice %arg5[%dma_start3A_114] : memref<2560xi32, #tpu.memory_space<vmem>> -> memref<128xi32, #tpu.memory_space<vmem>>
    %dma_start3A_116 = arith.constant 0 : i32
    %dma_start3A_117 = arith.constant 0 : i32
    %dma_start3A_118 = tpu.memref_slice %arg2[%dma_start3A_116, %dma_start3A_117] : memref<100000x128xf32, #tpu.memory_space<hbm>> -> memref<100000x128xf32, #tpu.memory_space<hbm>>
    tpu.enqueue_indirect_dma source(%dma_start3A_118 : memref<100000x128xf32, #tpu.memory_space<hbm>>) target(%arg9 : memref<128x128xf32, #tpu.memory_space<vmem>>) offsets(%dma_start3A_115 : memref<128xi32, #tpu.memory_space<vmem>>) semaphore(%arg13 : memref<!tpu.dma_semaphore, #tpu.memory_space<semaphore_mem>>) {add = true}
    %dma_wait3A_119 = arith.constant 1024 : i32
    %dma_wait3A_120 = tpu.memref_slice %arg5[%dma_wait3A_119] : memref<2560xi32, #tpu.memory_space<vmem>> -> memref<128xi32, #tpu.memory_space<vmem>>
    %dma_wait3A_121 = arith.constant 0 : i32
    %dma_wait3A_122 = arith.constant 0 : i32
    %dma_wait3A_123 = tpu.memref_slice %arg2[%dma_wait3A_121, %dma_wait3A_122] : memref<100000x128xf32, #tpu.memory_space<hbm>> -> memref<100000x128xf32, #tpu.memory_space<hbm>>
    tpu.wait_indirect_dma semaphore(%arg10 : memref<!tpu.dma_semaphore, #tpu.memory_space<semaphore_mem>>) src(%dma_wait3A_123 : memref<100000x128xf32, #tpu.memory_space<hbm>>) dst(%arg6 : memref<128x128xf32, #tpu.memory_space<vmem>>)
    %dma_start3A_124 = arith.constant 1536 : i32
    %dma_start3A_125 = tpu.memref_slice %arg5[%dma_start3A_124] : memref<2560xi32, #tpu.memory_space<vmem>> -> memref<128xi32, #tpu.memory_space<vmem>>
    %dma_start3A_126 = arith.constant 0 : i32
    %dma_start3A_127 = arith.constant 0 : i32
    %dma_start3A_128 = tpu.memref_slice %arg2[%dma_start3A_126, %dma_start3A_127] : memref<100000x128xf32, #tpu.memory_space<hbm>> -> memref<100000x128xf32, #tpu.memory_space<hbm>>
    tpu.enqueue_indirect_dma source(%dma_start3A_128 : memref<100000x128xf32, #tpu.memory_space<hbm>>) target(%arg6 : memref<128x128xf32, #tpu.memory_space<vmem>>) offsets(%dma_start3A_125 : memref<128xi32, #tpu.memory_space<vmem>>) semaphore(%arg10 : memref<!tpu.dma_semaphore, #tpu.memory_space<semaphore_mem>>) {add = true}
    %dma_wait3A_129 = arith.constant 1152 : i32
    %dma_wait3A_130 = tpu.memref_slice %arg5[%dma_wait3A_129] : memref<2560xi32, #tpu.memory_space<vmem>> -> memref<128xi32, #tpu.memory_space<vmem>>
    %dma_wait3A_131 = arith.constant 0 : i32
    %dma_wait3A_132 = arith.constant 0 : i32
    %dma_wait3A_133 = tpu.memref_slice %arg2[%dma_wait3A_131, %dma_wait3A_132] : memref<100000x128xf32, #tpu.memory_space<hbm>> -> memref<100000x128xf32, #tpu.memory_space<hbm>>
    tpu.wait_indirect_dma semaphore(%arg11 : memref<!tpu.dma_semaphore, #tpu.memory_space<semaphore_mem>>) src(%dma_wait3A_133 : memref<100000x128xf32, #tpu.memory_space<hbm>>) dst(%arg7 : memref<128x128xf32, #tpu.memory_space<vmem>>)
    %dma_start3A_134 = arith.constant 1664 : i32
    %dma_start3A_135 = tpu.memref_slice %arg5[%dma_start3A_134] : memref<2560xi32, #tpu.memory_space<vmem>> -> memref<128xi32, #tpu.memory_space<vmem>>
    %dma_start3A_136 = arith.constant 0 : i32
    %dma_start3A_137 = arith.constant 0 : i32
    %dma_start3A_138 = tpu.memref_slice %arg2[%dma_start3A_136, %dma_start3A_137] : memref<100000x128xf32, #tpu.memory_space<hbm>> -> memref<100000x128xf32, #tpu.memory_space<hbm>>
    tpu.enqueue_indirect_dma source(%dma_start3A_138 : memref<100000x128xf32, #tpu.memory_space<hbm>>) target(%arg7 : memref<128x128xf32, #tpu.memory_space<vmem>>) offsets(%dma_start3A_135 : memref<128xi32, #tpu.memory_space<vmem>>) semaphore(%arg11 : memref<!tpu.dma_semaphore, #tpu.memory_space<semaphore_mem>>) {add = true}
    %dma_wait3A_139 = arith.constant 1280 : i32
    %dma_wait3A_140 = tpu.memref_slice %arg5[%dma_wait3A_139] : memref<2560xi32, #tpu.memory_space<vmem>> -> memref<128xi32, #tpu.memory_space<vmem>>
    %dma_wait3A_141 = arith.constant 0 : i32
    %dma_wait3A_142 = arith.constant 0 : i32
    %dma_wait3A_143 = tpu.memref_slice %arg2[%dma_wait3A_141, %dma_wait3A_142] : memref<100000x128xf32, #tpu.memory_space<hbm>> -> memref<100000x128xf32, #tpu.memory_space<hbm>>
    tpu.wait_indirect_dma semaphore(%arg12 : memref<!tpu.dma_semaphore, #tpu.memory_space<semaphore_mem>>) src(%dma_wait3A_143 : memref<100000x128xf32, #tpu.memory_space<hbm>>) dst(%arg8 : memref<128x128xf32, #tpu.memory_space<vmem>>)
    %dma_start3A_144 = arith.constant 1792 : i32
    %dma_start3A_145 = tpu.memref_slice %arg5[%dma_start3A_144] : memref<2560xi32, #tpu.memory_space<vmem>> -> memref<128xi32, #tpu.memory_space<vmem>>
    %dma_start3A_146 = arith.constant 0 : i32
    %dma_start3A_147 = arith.constant 0 : i32
    %dma_start3A_148 = tpu.memref_slice %arg2[%dma_start3A_146, %dma_start3A_147] : memref<100000x128xf32, #tpu.memory_space<hbm>> -> memref<100000x128xf32, #tpu.memory_space<hbm>>
    tpu.enqueue_indirect_dma source(%dma_start3A_148 : memref<100000x128xf32, #tpu.memory_space<hbm>>) target(%arg8 : memref<128x128xf32, #tpu.memory_space<vmem>>) offsets(%dma_start3A_145 : memref<128xi32, #tpu.memory_space<vmem>>) semaphore(%arg12 : memref<!tpu.dma_semaphore, #tpu.memory_space<semaphore_mem>>) {add = true}
    %dma_wait3A_149 = arith.constant 1408 : i32
    %dma_wait3A_150 = tpu.memref_slice %arg5[%dma_wait3A_149] : memref<2560xi32, #tpu.memory_space<vmem>> -> memref<128xi32, #tpu.memory_space<vmem>>
    %dma_wait3A_151 = arith.constant 0 : i32
    %dma_wait3A_152 = arith.constant 0 : i32
    %dma_wait3A_153 = tpu.memref_slice %arg2[%dma_wait3A_151, %dma_wait3A_152] : memref<100000x128xf32, #tpu.memory_space<hbm>> -> memref<100000x128xf32, #tpu.memory_space<hbm>>
    tpu.wait_indirect_dma semaphore(%arg13 : memref<!tpu.dma_semaphore, #tpu.memory_space<semaphore_mem>>) src(%dma_wait3A_153 : memref<100000x128xf32, #tpu.memory_space<hbm>>) dst(%arg9 : memref<128x128xf32, #tpu.memory_space<vmem>>)
    %dma_start3A_154 = arith.constant 1920 : i32
    %dma_start3A_155 = tpu.memref_slice %arg5[%dma_start3A_154] : memref<2560xi32, #tpu.memory_space<vmem>> -> memref<128xi32, #tpu.memory_space<vmem>>
    %dma_start3A_156 = arith.constant 0 : i32
    %dma_start3A_157 = arith.constant 0 : i32
    %dma_start3A_158 = tpu.memref_slice %arg2[%dma_start3A_156, %dma_start3A_157] : memref<100000x128xf32, #tpu.memory_space<hbm>> -> memref<100000x128xf32, #tpu.memory_space<hbm>>
    tpu.enqueue_indirect_dma source(%dma_start3A_158 : memref<100000x128xf32, #tpu.memory_space<hbm>>) target(%arg9 : memref<128x128xf32, #tpu.memory_space<vmem>>) offsets(%dma_start3A_155 : memref<128xi32, #tpu.memory_space<vmem>>) semaphore(%arg13 : memref<!tpu.dma_semaphore, #tpu.memory_space<semaphore_mem>>) {add = true}
    %dma_wait3A_159 = arith.constant 1536 : i32
    %dma_wait3A_160 = tpu.memref_slice %arg5[%dma_wait3A_159] : memref<2560xi32, #tpu.memory_space<vmem>> -> memref<128xi32, #tpu.memory_space<vmem>>
    %dma_wait3A_161 = arith.constant 0 : i32
    %dma_wait3A_162 = arith.constant 0 : i32
    %dma_wait3A_163 = tpu.memref_slice %arg2[%dma_wait3A_161, %dma_wait3A_162] : memref<100000x128xf32, #tpu.memory_space<hbm>> -> memref<100000x128xf32, #tpu.memory_space<hbm>>
    tpu.wait_indirect_dma semaphore(%arg10 : memref<!tpu.dma_semaphore, #tpu.memory_space<semaphore_mem>>) src(%dma_wait3A_163 : memref<100000x128xf32, #tpu.memory_space<hbm>>) dst(%arg6 : memref<128x128xf32, #tpu.memory_space<vmem>>)
    %dma_start3A_164 = arith.constant 2048 : i32
    %dma_start3A_165 = tpu.memref_slice %arg5[%dma_start3A_164] : memref<2560xi32, #tpu.memory_space<vmem>> -> memref<128xi32, #tpu.memory_space<vmem>>
    %dma_start3A_166 = arith.constant 0 : i32
    %dma_start3A_167 = arith.constant 0 : i32
    %dma_start3A_168 = tpu.memref_slice %arg2[%dma_start3A_166, %dma_start3A_167] : memref<100000x128xf32, #tpu.memory_space<hbm>> -> memref<100000x128xf32, #tpu.memory_space<hbm>>
    tpu.enqueue_indirect_dma source(%dma_start3A_168 : memref<100000x128xf32, #tpu.memory_space<hbm>>) target(%arg6 : memref<128x128xf32, #tpu.memory_space<vmem>>) offsets(%dma_start3A_165 : memref<128xi32, #tpu.memory_space<vmem>>) semaphore(%arg10 : memref<!tpu.dma_semaphore, #tpu.memory_space<semaphore_mem>>) {add = true}
    %dma_wait3A_169 = arith.constant 1664 : i32
    %dma_wait3A_170 = tpu.memref_slice %arg5[%dma_wait3A_169] : memref<2560xi32, #tpu.memory_space<vmem>> -> memref<128xi32, #tpu.memory_space<vmem>>
    %dma_wait3A_171 = arith.constant 0 : i32
    %dma_wait3A_172 = arith.constant 0 : i32
    %dma_wait3A_173 = tpu.memref_slice %arg2[%dma_wait3A_171, %dma_wait3A_172] : memref<100000x128xf32, #tpu.memory_space<hbm>> -> memref<100000x128xf32, #tpu.memory_space<hbm>>
    tpu.wait_indirect_dma semaphore(%arg11 : memref<!tpu.dma_semaphore, #tpu.memory_space<semaphore_mem>>) src(%dma_wait3A_173 : memref<100000x128xf32, #tpu.memory_space<hbm>>) dst(%arg7 : memref<128x128xf32, #tpu.memory_space<vmem>>)
    %dma_start3A_174 = arith.constant 2176 : i32
    %dma_start3A_175 = tpu.memref_slice %arg5[%dma_start3A_174] : memref<2560xi32, #tpu.memory_space<vmem>> -> memref<128xi32, #tpu.memory_space<vmem>>
    %dma_start3A_176 = arith.constant 0 : i32
    %dma_start3A_177 = arith.constant 0 : i32
    %dma_start3A_178 = tpu.memref_slice %arg2[%dma_start3A_176, %dma_start3A_177] : memref<100000x128xf32, #tpu.memory_space<hbm>> -> memref<100000x128xf32, #tpu.memory_space<hbm>>
    tpu.enqueue_indirect_dma source(%dma_start3A_178 : memref<100000x128xf32, #tpu.memory_space<hbm>>) target(%arg7 : memref<128x128xf32, #tpu.memory_space<vmem>>) offsets(%dma_start3A_175 : memref<128xi32, #tpu.memory_space<vmem>>) semaphore(%arg11 : memref<!tpu.dma_semaphore, #tpu.memory_space<semaphore_mem>>) {add = true}
    %dma_wait3A_179 = arith.constant 1792 : i32
    %dma_wait3A_180 = tpu.memref_slice %arg5[%dma_wait3A_179] : memref<2560xi32, #tpu.memory_space<vmem>> -> memref<128xi32, #tpu.memory_space<vmem>>
    %dma_wait3A_181 = arith.constant 0 : i32
    %dma_wait3A_182 = arith.constant 0 : i32
    %dma_wait3A_183 = tpu.memref_slice %arg2[%dma_wait3A_181, %dma_wait3A_182] : memref<100000x128xf32, #tpu.memory_space<hbm>> -> memref<100000x128xf32, #tpu.memory_space<hbm>>
    tpu.wait_indirect_dma semaphore(%arg12 : memref<!tpu.dma_semaphore, #tpu.memory_space<semaphore_mem>>) src(%dma_wait3A_183 : memref<100000x128xf32, #tpu.memory_space<hbm>>) dst(%arg8 : memref<128x128xf32, #tpu.memory_space<vmem>>)
    %dma_start3A_184 = arith.constant 2304 : i32
    %dma_start3A_185 = tpu.memref_slice %arg5[%dma_start3A_184] : memref<2560xi32, #tpu.memory_space<vmem>> -> memref<128xi32, #tpu.memory_space<vmem>>
    %dma_start3A_186 = arith.constant 0 : i32
    %dma_start3A_187 = arith.constant 0 : i32
    %dma_start3A_188 = tpu.memref_slice %arg2[%dma_start3A_186, %dma_start3A_187] : memref<100000x128xf32, #tpu.memory_space<hbm>> -> memref<100000x128xf32, #tpu.memory_space<hbm>>
    tpu.enqueue_indirect_dma source(%dma_start3A_188 : memref<100000x128xf32, #tpu.memory_space<hbm>>) target(%arg8 : memref<128x128xf32, #tpu.memory_space<vmem>>) offsets(%dma_start3A_185 : memref<128xi32, #tpu.memory_space<vmem>>) semaphore(%arg12 : memref<!tpu.dma_semaphore, #tpu.memory_space<semaphore_mem>>) {add = true}
    %dma_wait3A_189 = arith.constant 1920 : i32
    %dma_wait3A_190 = tpu.memref_slice %arg5[%dma_wait3A_189] : memref<2560xi32, #tpu.memory_space<vmem>> -> memref<128xi32, #tpu.memory_space<vmem>>
    %dma_wait3A_191 = arith.constant 0 : i32
    %dma_wait3A_192 = arith.constant 0 : i32
    %dma_wait3A_193 = tpu.memref_slice %arg2[%dma_wait3A_191, %dma_wait3A_192] : memref<100000x128xf32, #tpu.memory_space<hbm>> -> memref<100000x128xf32, #tpu.memory_space<hbm>>
    tpu.wait_indirect_dma semaphore(%arg13 : memref<!tpu.dma_semaphore, #tpu.memory_space<semaphore_mem>>) src(%dma_wait3A_193 : memref<100000x128xf32, #tpu.memory_space<hbm>>) dst(%arg9 : memref<128x128xf32, #tpu.memory_space<vmem>>)
    %dma_start3A_194 = arith.constant 2432 : i32
    %dma_start3A_195 = tpu.memref_slice %arg5[%dma_start3A_194] : memref<2560xi32, #tpu.memory_space<vmem>> -> memref<128xi32, #tpu.memory_space<vmem>>
    %dma_start3A_196 = arith.constant 0 : i32
    %dma_start3A_197 = arith.constant 0 : i32
    %dma_start3A_198 = tpu.memref_slice %arg2[%dma_start3A_196, %dma_start3A_197] : memref<100000x128xf32, #tpu.memory_space<hbm>> -> memref<100000x128xf32, #tpu.memory_space<hbm>>
    tpu.enqueue_indirect_dma source(%dma_start3A_198 : memref<100000x128xf32, #tpu.memory_space<hbm>>) target(%arg9 : memref<128x128xf32, #tpu.memory_space<vmem>>) offsets(%dma_start3A_195 : memref<128xi32, #tpu.memory_space<vmem>>) semaphore(%arg13 : memref<!tpu.dma_semaphore, #tpu.memory_space<semaphore_mem>>) {add = true}
    %dma_wait3A_199 = arith.constant 2048 : i32
    %dma_wait3A_200 = tpu.memref_slice %arg5[%dma_wait3A_199] : memref<2560xi32, #tpu.memory_space<vmem>> -> memref<128xi32, #tpu.memory_space<vmem>>
    %dma_wait3A_201 = arith.constant 0 : i32
    %dma_wait3A_202 = arith.constant 0 : i32
    %dma_wait3A_203 = tpu.memref_slice %arg2[%dma_wait3A_201, %dma_wait3A_202] : memref<100000x128xf32, #tpu.memory_space<hbm>> -> memref<100000x128xf32, #tpu.memory_space<hbm>>
    tpu.wait_indirect_dma semaphore(%arg10 : memref<!tpu.dma_semaphore, #tpu.memory_space<semaphore_mem>>) src(%dma_wait3A_203 : memref<100000x128xf32, #tpu.memory_space<hbm>>) dst(%arg6 : memref<128x128xf32, #tpu.memory_space<vmem>>)
    %mul3A_204 = arith.constant 512 : i32
    %mul3A_205 = arith.muli %add3A, %mul3A_204 : i32
    %add3A_206 = arith.constant 0 : i32
    %add3A_207 = arith.addi %mul3A_205, %add3A_206 : i32
    %dma_start3A_208 = arith.constant 0 : i32
    %dma_start3A_209 = tpu.memref_slice %arg4[%add3A_207, %dma_start3A_208] : memref<16384x128xf32, #tpu.memory_space<hbm>> -> memref<128x128xf32, #tpu.memory_space<hbm>>
    %dma_start3A_210 = arith.constant 0 : i32
    %dma_start3A_211 = tpu.memref_slice %arg4[%add3A_207, %dma_start3A_210] : memref<16384x128xf32, #tpu.memory_space<hbm>> -> memref<128x128xf32, #tpu.memory_space<hbm>>
    tpu.enqueue_dma source(%arg6 : memref<128x128xf32, #tpu.memory_space<vmem>>) target(%dma_start3A_211 : memref<128x128xf32, #tpu.memory_space<hbm>>) target_semaphore(%arg10 : memref<!tpu.dma_semaphore, #tpu.memory_space<semaphore_mem>>)
    %dma_wait3A_212 = arith.constant 2176 : i32
    %dma_wait3A_213 = tpu.memref_slice %arg5[%dma_wait3A_212] : memref<2560xi32, #tpu.memory_space<vmem>> -> memref<128xi32, #tpu.memory_space<vmem>>
    %dma_wait3A_214 = arith.constant 0 : i32
    %dma_wait3A_215 = arith.constant 0 : i32
    %dma_wait3A_216 = tpu.memref_slice %arg2[%dma_wait3A_214, %dma_wait3A_215] : memref<100000x128xf32, #tpu.memory_space<hbm>> -> memref<100000x128xf32, #tpu.memory_space<hbm>>
    tpu.wait_indirect_dma semaphore(%arg11 : memref<!tpu.dma_semaphore, #tpu.memory_space<semaphore_mem>>) src(%dma_wait3A_216 : memref<100000x128xf32, #tpu.memory_space<hbm>>) dst(%arg7 : memref<128x128xf32, #tpu.memory_space<vmem>>)
    %mul3A_217 = arith.constant 512 : i32
    %mul3A_218 = arith.muli %add3A, %mul3A_217 : i32
    %add3A_219 = arith.constant 128 : i32
    %add3A_220 = arith.addi %mul3A_218, %add3A_219 : i32
    %dma_start3A_221 = arith.constant 0 : i32
    %dma_start3A_222 = tpu.memref_slice %arg4[%add3A_220, %dma_start3A_221] : memref<16384x128xf32, #tpu.memory_space<hbm>> -> memref<128x128xf32, #tpu.memory_space<hbm>>
    %dma_start3A_223 = arith.constant 0 : i32
    %dma_start3A_224 = tpu.memref_slice %arg4[%add3A_220, %dma_start3A_223] : memref<16384x128xf32, #tpu.memory_space<hbm>> -> memref<128x128xf32, #tpu.memory_space<hbm>>
    tpu.enqueue_dma source(%arg7 : memref<128x128xf32, #tpu.memory_space<vmem>>) target(%dma_start3A_224 : memref<128x128xf32, #tpu.memory_space<hbm>>) target_semaphore(%arg11 : memref<!tpu.dma_semaphore, #tpu.memory_space<semaphore_mem>>)
    %dma_wait3A_225 = arith.constant 2304 : i32
    %dma_wait3A_226 = tpu.memref_slice %arg5[%dma_wait3A_225] : memref<2560xi32, #tpu.memory_space<vmem>> -> memref<128xi32, #tpu.memory_space<vmem>>
    %dma_wait3A_227 = arith.constant 0 : i32
    %dma_wait3A_228 = arith.constant 0 : i32
    %dma_wait3A_229 = tpu.memref_slice %arg2[%dma_wait3A_227, %dma_wait3A_228] : memref<100000x128xf32, #tpu.memory_space<hbm>> -> memref<100000x128xf32, #tpu.memory_space<hbm>>
    tpu.wait_indirect_dma semaphore(%arg12 : memref<!tpu.dma_semaphore, #tpu.memory_space<semaphore_mem>>) src(%dma_wait3A_229 : memref<100000x128xf32, #tpu.memory_space<hbm>>) dst(%arg8 : memref<128x128xf32, #tpu.memory_space<vmem>>)
    %mul3A_230 = arith.constant 512 : i32
    %mul3A_231 = arith.muli %add3A, %mul3A_230 : i32
    %add3A_232 = arith.constant 256 : i32
    %add3A_233 = arith.addi %mul3A_231, %add3A_232 : i32
    %dma_start3A_234 = arith.constant 0 : i32
    %dma_start3A_235 = tpu.memref_slice %arg4[%add3A_233, %dma_start3A_234] : memref<16384x128xf32, #tpu.memory_space<hbm>> -> memref<128x128xf32, #tpu.memory_space<hbm>>
    %dma_start3A_236 = arith.constant 0 : i32
    %dma_start3A_237 = tpu.memref_slice %arg4[%add3A_233, %dma_start3A_236] : memref<16384x128xf32, #tpu.memory_space<hbm>> -> memref<128x128xf32, #tpu.memory_space<hbm>>
    tpu.enqueue_dma source(%arg8 : memref<128x128xf32, #tpu.memory_space<vmem>>) target(%dma_start3A_237 : memref<128x128xf32, #tpu.memory_space<hbm>>) target_semaphore(%arg12 : memref<!tpu.dma_semaphore, #tpu.memory_space<semaphore_mem>>)
    %dma_wait3A_238 = arith.constant 2432 : i32
    %dma_wait3A_239 = tpu.memref_slice %arg5[%dma_wait3A_238] : memref<2560xi32, #tpu.memory_space<vmem>> -> memref<128xi32, #tpu.memory_space<vmem>>
    %dma_wait3A_240 = arith.constant 0 : i32
    %dma_wait3A_241 = arith.constant 0 : i32
    %dma_wait3A_242 = tpu.memref_slice %arg2[%dma_wait3A_240, %dma_wait3A_241] : memref<100000x128xf32, #tpu.memory_space<hbm>> -> memref<100000x128xf32, #tpu.memory_space<hbm>>
    tpu.wait_indirect_dma semaphore(%arg13 : memref<!tpu.dma_semaphore, #tpu.memory_space<semaphore_mem>>) src(%dma_wait3A_242 : memref<100000x128xf32, #tpu.memory_space<hbm>>) dst(%arg9 : memref<128x128xf32, #tpu.memory_space<vmem>>)
    %mul3A_243 = arith.constant 512 : i32
    %mul3A_244 = arith.muli %add3A, %mul3A_243 : i32
    %add3A_245 = arith.constant 384 : i32
    %add3A_246 = arith.addi %mul3A_244, %add3A_245 : i32
    %dma_start3A_247 = arith.constant 0 : i32
    %dma_start3A_248 = tpu.memref_slice %arg4[%add3A_246, %dma_start3A_247] : memref<16384x128xf32, #tpu.memory_space<hbm>> -> memref<128x128xf32, #tpu.memory_space<hbm>>
    %dma_start3A_249 = arith.constant 0 : i32
    %dma_start3A_250 = tpu.memref_slice %arg4[%add3A_246, %dma_start3A_249] : memref<16384x128xf32, #tpu.memory_space<hbm>> -> memref<128x128xf32, #tpu.memory_space<hbm>>
    tpu.enqueue_dma source(%arg9 : memref<128x128xf32, #tpu.memory_space<vmem>>) target(%dma_start3A_250 : memref<128x128xf32, #tpu.memory_space<hbm>>) target_semaphore(%arg13 : memref<!tpu.dma_semaphore, #tpu.memory_space<semaphore_mem>>)
    %dma_wait3A_251 = arith.constant 0 : i32
    %dma_wait3A_252 = tpu.memref_slice %arg4[%add3A_207, %dma_wait3A_251] : memref<16384x128xf32, #tpu.memory_space<hbm>> -> memref<128x128xf32, #tpu.memory_space<hbm>>
    %dma_wait3A_253 = arith.constant 0 : i32
    %dma_wait3A_254 = tpu.memref_slice %arg4[%add3A_207, %dma_wait3A_253] : memref<16384x128xf32, #tpu.memory_space<hbm>> -> memref<128x128xf32, #tpu.memory_space<hbm>>
    tpu.wait_dma2 semaphore(%arg10 : memref<!tpu.dma_semaphore, #tpu.memory_space<semaphore_mem>>) src(%arg6 : memref<128x128xf32, #tpu.memory_space<vmem>>) dst(%dma_wait3A_254 : memref<128x128xf32, #tpu.memory_space<hbm>>)
    %dma_wait3A_255 = arith.constant 0 : i32
    %dma_wait3A_256 = tpu.memref_slice %arg4[%add3A_220, %dma_wait3A_255] : memref<16384x128xf32, #tpu.memory_space<hbm>> -> memref<128x128xf32, #tpu.memory_space<hbm>>
    %dma_wait3A_257 = arith.constant 0 : i32
    %dma_wait3A_258 = tpu.memref_slice %arg4[%add3A_220, %dma_wait3A_257] : memref<16384x128xf32, #tpu.memory_space<hbm>> -> memref<128x128xf32, #tpu.memory_space<hbm>>
    tpu.wait_dma2 semaphore(%arg11 : memref<!tpu.dma_semaphore, #tpu.memory_space<semaphore_mem>>) src(%arg7 : memref<128x128xf32, #tpu.memory_space<vmem>>) dst(%dma_wait3A_258 : memref<128x128xf32, #tpu.memory_space<hbm>>)
    %dma_wait3A_259 = arith.constant 0 : i32
    %dma_wait3A_260 = tpu.memref_slice %arg4[%add3A_233, %dma_wait3A_259] : memref<16384x128xf32, #tpu.memory_space<hbm>> -> memref<128x128xf32, #tpu.memory_space<hbm>>
    %dma_wait3A_261 = arith.constant 0 : i32
    %dma_wait3A_262 = tpu.memref_slice %arg4[%add3A_233, %dma_wait3A_261] : memref<16384x128xf32, #tpu.memory_space<hbm>> -> memref<128x128xf32, #tpu.memory_space<hbm>>
    tpu.wait_dma2 semaphore(%arg12 : memref<!tpu.dma_semaphore, #tpu.memory_space<semaphore_mem>>) src(%arg8 : memref<128x128xf32, #tpu.memory_space<vmem>>) dst(%dma_wait3A_262 : memref<128x128xf32, #tpu.memory_space<hbm>>)
    %dma_wait3A_263 = arith.constant 0 : i32
    %dma_wait3A_264 = tpu.memref_slice %arg4[%add3A_246, %dma_wait3A_263] : memref<16384x128xf32, #tpu.memory_space<hbm>> -> memref<128x128xf32, #tpu.memory_space<hbm>>
    %dma_wait3A_265 = arith.constant 0 : i32
    %dma_wait3A_266 = tpu.memref_slice %arg4[%add3A_246, %dma_wait3A_265] : memref<16384x128xf32, #tpu.memory_space<hbm>> -> memref<128x128xf32, #tpu.memory_space<hbm>>
    tpu.wait_dma2 semaphore(%arg13 : memref<!tpu.dma_semaphore, #tpu.memory_space<semaphore_mem>>) src(%arg9 : memref<128x128xf32, #tpu.memory_space<vmem>>) dst(%dma_wait3A_266 : memref<128x128xf32, #tpu.memory_space<hbm>>)
    return
  }
}

module attributes {stable_mosaic.version = 14 : i64} {
  func.func @_pad_body(%arg0: i32, %arg1: memref<10000x64xf32, #tpu.memory_space<vmem>>, %arg2: memref<10000x128xf32, #tpu.memory_space<vmem>>) attributes {dimension_semantics = [#tpu.dimension_semantics<arbitrary>], iteration_bounds = array<i64: 10>, scalar_prefetch = 0 : i64, scratch_operands = 0 : i64, tpu.core_type = #tpu.core_type<tc>, window_params = [{transform_indices = @transform_0, window_bounds = array<i64: 10000, 64>}, {transform_indices = @transform_1, window_bounds = array<i64: 10000, 128>}]} {
    %get3A = arith.constant 0 : index
    %get3A_0 = arith.constant 0 : index
    %get3A_1 = vector.load %arg1[%get3A, %get3A_0] : memref<10000x64xf32, #tpu.memory_space<vmem>>, vector<10000x64xf32>
    %swap3A = arith.constant 0 : index
    %swap3A_2 = arith.constant 0 : index
    %swap3A_3 = vector.load %arg2[%swap3A, %swap3A_2] : memref<10000x128xf32, #tpu.memory_space<vmem>>, vector<10000x64xf32>
    tpu.vector_store %arg2[%swap3A, %swap3A_2], %get3A_1 {strides = array<i32>} : memref<10000x128xf32, #tpu.memory_space<vmem>>, vector<10000x64xf32>,
    %broadcast_in_dim3A = arith.constant 0.000000e+00 : f32
    %broadcast_in_dim3A_4 = vector.broadcast %broadcast_in_dim3A : f32 to vector<10000x64xf32>
    %swap3A_5 = arith.constant 0 : index
    %swap3A_6 = arith.constant 64 : index
    %swap3A_7 = vector.load %arg2[%swap3A_5, %swap3A_6] : memref<10000x128xf32, #tpu.memory_space<vmem>>, vector<10000x64xf32>
    tpu.vector_store %arg2[%swap3A_5, %swap3A_6], %broadcast_in_dim3A_4 {strides = array<i32>} : memref<10000x128xf32, #tpu.memory_space<vmem>>, vector<10000x64xf32>,
    return
  }
  func.func @transform_0(%arg0: i32) -> (i32, i32) {
    %c0_i32 = arith.constant 0 : i32
    %c0_i32_0 = arith.constant 0 : i32
    return %arg0, %c0_i32 : i32, i32
  }
  func.func @transform_1(%arg0: i32) -> (i32, i32) {
    %c0_i32 = arith.constant 0 : i32
    %c0_i32_0 = arith.constant 0 : i32
    return %arg0, %c0_i32 : i32, i32
  }
}

module attributes {stable_mosaic.version = 14 : i64} {
  func.func @_mlp_body(%arg0: i32, %arg1: memref<4096x128xf32, #tpu.memory_space<vmem>>, %arg2: memref<128x128xf32, #tpu.memory_space<vmem>>, %arg3: memref<1x128xf32, #tpu.memory_space<vmem>>, %arg4: memref<128x128xf32, #tpu.memory_space<vmem>>, %arg5: memref<1x128xf32, #tpu.memory_space<vmem>>, %arg6: memref<128x128xf32, #tpu.memory_space<vmem>>, %arg7: memref<1xf32, #tpu.memory_space<smem>>, %arg8: memref<4096xf32, #tpu.memory_space<vmem>>) attributes {dimension_semantics = [#tpu.dimension_semantics<arbitrary>], iteration_bounds = array<i64: 4>, scalar_prefetch = 0 : i64, scratch_operands = 0 : i64, tpu.core_type = #tpu.core_type<tc>, window_params = [{transform_indices = @transform_0, window_bounds = array<i64: 4096, 128>}, {pipeline_mode = #tpu.pipeline_mode<synchronous>, transform_indices = @transform_1, window_bounds = array<i64: 128, 128>}, {pipeline_mode = #tpu.pipeline_mode<synchronous>, transform_indices = @transform_2, window_bounds = array<i64: 1, 128>}, {pipeline_mode = #tpu.pipeline_mode<synchronous>, transform_indices = @transform_3, window_bounds = array<i64: 128, 128>}, {pipeline_mode = #tpu.pipeline_mode<synchronous>, transform_indices = @transform_4, window_bounds = array<i64: 1, 128>}, {pipeline_mode = #tpu.pipeline_mode<synchronous>, transform_indices = @transform_5, window_bounds = array<i64: 128, 128>}, {transform_indices = @transform_6, window_bounds = array<i64: 1>}, {transform_indices = @transform_7, window_bounds = array<i64: 4096>}]} {
    %get3A = arith.constant 0 : index
    %get3A_0 = arith.constant 0 : index
    %get3A_1 = vector.load %arg1[%get3A, %get3A_0] : memref<4096x128xf32, #tpu.memory_space<vmem>>, vector<4096x128xf32>
    %get3A_2 = arith.constant 0 : index
    %get3A_3 = arith.constant 0 : index
    %get3A_4 = vector.load %arg2[%get3A_2, %get3A_3] : memref<128x128xf32, #tpu.memory_space<vmem>>, vector<128x128xf32>
    %dot_general3A = arith.constant dense<0.000000e+00> : vector<4096x128xf32>
    %dot_general3A_5 = tpu.matmul %get3A_1, %get3A_4, %dot_general3A {dimension_numbers = #tpu.dot_dimension_numbers<[1], [0], [0], [1], [0, 0, 1, 1], [], []>, transpose_lhs_hint = false} : vector<4096x128xf32>, vector<128x128xf32>, vector<4096x128xf32> -> vector<4096x128xf32>
    %get3A_6 = arith.constant 0 : index
    %get3A_7 = arith.constant 0 : index
    %get3A_8 = vector.load %arg3[%get3A_6, %get3A_7] : memref<1x128xf32, #tpu.memory_space<vmem>>, vector<1x128xf32>
    %add3A = vector.broadcast %get3A_8 : vector<1x128xf32> to vector<4096x128xf32>
    %add3A_9 = arith.addf %dot_general3A_5, %add3A : vector<4096x128xf32>
    %max3A = arith.constant 0.000000e+00 : f32
    %max3A_10 = vector.broadcast %max3A : f32 to vector<4096x128xf32>
    %max3A_11 = arith.maximumf %add3A_9, %max3A_10 : vector<4096x128xf32>
    %get3A_12 = arith.constant 0 : index
    %get3A_13 = arith.constant 0 : index
    %get3A_14 = vector.load %arg4[%get3A_12, %get3A_13] : memref<128x128xf32, #tpu.memory_space<vmem>>, vector<128x128xf32>
    %dot_general3A_15 = arith.constant dense<0.000000e+00> : vector<4096x128xf32>
    %dot_general3A_16 = tpu.matmul %max3A_11, %get3A_14, %dot_general3A_15 {dimension_numbers = #tpu.dot_dimension_numbers<[1], [0], [0], [1], [0, 0, 1, 1], [], []>, transpose_lhs_hint = false} : vector<4096x128xf32>, vector<128x128xf32>, vector<4096x128xf32> -> vector<4096x128xf32>
    %get3A_17 = arith.constant 0 : index
    %get3A_18 = arith.constant 0 : index
    %get3A_19 = vector.load %arg5[%get3A_17, %get3A_18] : memref<1x128xf32, #tpu.memory_space<vmem>>, vector<1x128xf32>
    %add3A_20 = vector.broadcast %get3A_19 : vector<1x128xf32> to vector<4096x128xf32>
    %add3A_21 = arith.addf %dot_general3A_16, %add3A_20 : vector<4096x128xf32>
    %max3A_22 = arith.constant 0.000000e+00 : f32
    %max3A_23 = vector.broadcast %max3A_22 : f32 to vector<4096x128xf32>
    %max3A_24 = arith.maximumf %add3A_21, %max3A_23 : vector<4096x128xf32>
    %get3A_25 = arith.constant 0 : index
    %get3A_26 = arith.constant 0 : index
    %get3A_27 = vector.load %arg6[%get3A_25, %get3A_26] : memref<128x128xf32, #tpu.memory_space<vmem>>, vector<128x128xf32>
    %dot_general3A_28 = arith.constant dense<0.000000e+00> : vector<4096x128xf32>
    %dot_general3A_29 = tpu.matmul %max3A_24, %get3A_27, %dot_general3A_28 {dimension_numbers = #tpu.dot_dimension_numbers<[1], [0], [0], [1], [0, 0, 1, 1], [], []>, transpose_lhs_hint = false} : vector<4096x128xf32>, vector<128x128xf32>, vector<4096x128xf32> -> vector<4096x128xf32>
    %slice3A = vector.extract_strided_slice %dot_general3A_29 {offsets = [0, 0], sizes = [4096, 1], strides = [1, 1]} : vector<4096x128xf32> to vector<4096x1xf32>
    %squeeze3A = vector.shape_cast %slice3A : vector<4096x1xf32> to vector<4096xf32>
    %get3A_30 = arith.constant 0 : index
    %get3A_31 = memref.load %arg7[%get3A_30] : memref<1xf32, #tpu.memory_space<smem>>
    %add3A_32 = vector.broadcast %get3A_31 : f32 to vector<4096xf32>
    %add3A_33 = arith.addf %squeeze3A, %add3A_32 : vector<4096xf32>
    %swap3A = arith.constant 0 : index
    %swap3A_34 = vector.load %arg8[%swap3A] : memref<4096xf32, #tpu.memory_space<vmem>>, vector<4096xf32>
    tpu.vector_store %arg8[%swap3A], %add3A_33 {strides = array<i32>} : memref<4096xf32, #tpu.memory_space<vmem>>, vector<4096xf32>,
    return
  }
  func.func @transform_0(%arg0: i32) -> (i32, i32) {
    %c0_i32 = arith.constant 0 : i32
    %c0_i32_0 = arith.constant 0 : i32
    return %arg0, %c0_i32 : i32, i32
  }
  func.func @transform_1(%arg0: i32) -> (i32, i32) {
    %c0_i32 = arith.constant 0 : i32
    %c0_i32_0 = arith.constant 0 : i32
    %c0_i32_1 = arith.constant 0 : i32
    return %c0_i32, %c0_i32_0 : i32, i32
  }
  func.func @transform_2(%arg0: i32) -> (i32, i32) {
    %c0_i32 = arith.constant 0 : i32
    %c0_i32_0 = arith.constant 0 : i32
    %c0_i32_1 = arith.constant 0 : i32
    return %c0_i32, %c0_i32_0 : i32, i32
  }
  func.func @transform_3(%arg0: i32) -> (i32, i32) {
    %c0_i32 = arith.constant 0 : i32
    %c0_i32_0 = arith.constant 0 : i32
    %c0_i32_1 = arith.constant 0 : i32
    return %c0_i32, %c0_i32_0 : i32, i32
  }
  func.func @transform_4(%arg0: i32) -> (i32, i32) {
    %c0_i32 = arith.constant 0 : i32
    %c0_i32_0 = arith.constant 0 : i32
    %c0_i32_1 = arith.constant 0 : i32
    return %c0_i32, %c0_i32_0 : i32, i32
  }
  func.func @transform_5(%arg0: i32) -> (i32, i32) {
    %c0_i32 = arith.constant 0 : i32
    %c0_i32_0 = arith.constant 0 : i32
    %c0_i32_1 = arith.constant 0 : i32
    return %c0_i32, %c0_i32_0 : i32, i32
  }
  func.func @transform_6(%arg0: i32) -> i32 {
    %c0_i32 = arith.constant 0 : i32
    %c0_i32_0 = arith.constant 0 : i32
    return %c0_i32 : i32
  }
  func.func @transform_7(%arg0: i32) -> i32 {
    %c0_i32 = arith.constant 0 : i32
    return %arg0 : i32
  }
}

</mosaic_0001>

<sc_bundles>
// kernel: kernel.5.cloned.1.call-start
scs
__scs_entry_jumppad:
0x0: {  	(pc) =	sbr.rel $0x88, $3  }
0x1: {  	(tag) =	ssettag $0x0;
	lr =	simm.s32 $0x1  }
0x2: {  	[smem:$0x3F99] =	sst lr;
	_ =	strace $0xD0000000  }
0x3: {  	_ = 	snop  }
0x4: {  	_ = 	snop  }
0x5: {  	_ = 	snop  }
0x6: {  	_ = 	snop  }
0x7: {  	_ = 	snop  }
__scs_overlays_trampoline_lowered:
0x8: {  	[smem:$0x3FA8] =	sst s0  }
0x9: {  	[smem:$0x3FA9] =	sst s1  }
0xa: {  	[smem:$0x3FAA] =	sst s2  }
0xb: {  	[smem:$0x3FAB] =	sst s3  }
0xc: {  	[smem:$0x3FAC] =	sst s4  }
0xd: {  	[smem:$0x3FAD] =	sst s5  }
0xe: {  	[smem:$0x3FAE] =	sst s6  }
0xf: {  	[smem:$0x3FAF] =	sst s7  }
0x10: {  	[smem:$0x3FB0] =	sst s8  }
0x11: {  	[smem:$0x3FB1] =	sst s9;
	s0 =	simm.s32 @!p0 $0x0  }
0x12: {  	s1 =	sld [smem:$0x3F97];
	s0 =	simm.s32 @p0 $0x1  }
0x13: {  	[smem:$0x3FB2] =	sst s0;
	s0 =	simm.s32 @!p1 $0x0  }
0x14: {  	s2 =	sld [smem:$0x3F96];
	s0 =	simm.s32 @p1 $0x1  }
0x15: {  	[smem:$0x3FB3] =	sst s0;
	s0 =	simm.s32 @!p2 $0x0  }
0x16: {  	s3 =	sld [smem:$0x3FDB];
	s0 =	simm.s32 @p2 $0x1  }
0x17: {  	s4 =	simm.s32 $0x1BF5;
	[smem:$0x3FB5] =	sst s0  }
0x18: {  	s0 =	sld [smem:$0x3F98];
	_ =	swait.ge [sflag:s4], $0x0  }
0x19: {  	s7 =	sld [smem:$0x3F99]  }
0x1a: {  	s8 =	sadd.s32 $0xFFFFE003, lr  }
0x1b: {  	s9 =	sadd.s32 $0xFFFFFEF7, lr;
	s5 =	simm.s32 $0xFFFFFFFF;
	p2 =	slt.u32 s8, $0xFFFFF086  }
0x1c: {  	p1 =	slt.u32 s9, $0xF7A;
	s5 =	simm.s32 @!p2 $0x0  }
0x1d: {  	s5 =	simm.s32 @p1 $0x1;
	p0 =	seq.s32 s7, s2  }
0x1e: {  	s7 =	smul.u32 @!p0 $0xF7A, s2;
	p2 =	seq.s32 @!p0 s5, $0x0  }
0x1f: {  	s9 =	smul.u32 $0xF7A, s1;
	s8 =	simm.s32 @!p0 $0x1BF5;
	p2 =	por !p2, p0  }
0x20: {  	[sflag:s8] =	ssyncset.s32 @!p0 $0xFFFFF086;
	s6 =	sadd.s32 @!p0 s3, s7;
	s7 =	simm.s32 @!p0 $0x108  }
0x21: {  	s3 =	sadd.s32 s3, s9;
	s6 =	sadd.s32 @!p0 $0x88, s6;
	s7 =	simm.s32 @p2 $0x1082  }
0x22: {  	[simem:s7], [sflag:s8] =	dma.local @!p0 [hbm:s6], $0xF7A  }
0x23: {  	s9 =	sor.u32 $0xD0000000, s2;
	s6 =	simm.s32 $0x108;
	_ =	swait.ge @!p0 [sflag:s8], $0x0  }
0x24: {  	s3 =	sadd.s32 $0x88, s3;
	s6 =	simm.s32 @!p1 $0x1082;
	[sflag:s4] =	ssyncset.s32 $0xFFFFF086  }
0x25: {  	[simem:s6], [sflag:s4] =	dma.local [hbm:s3], $0xF7A  }
0x26: {  	[smem:$0x3F99] =	sst s1;
	(tag) =	ssettag s2;
	_ =	strace s9  }
0x27: {  	s1 =	sld [smem:$0x3FA9]  }
0x28: {  	s2 =	sld [smem:$0x3FAA]  }
0x29: {  	s4 =	sld [smem:$0x3FAC]  }
0x2a: {  	p0 =	seq.s32 s5, $0x0;
	s5 =	sld [smem:$0x3FAD]  }
0x2b: {  	s6 =	sld [smem:$0x3FAE]  }
0x2c: {  	s7 =	sld [smem:$0x3FAF]  }
0x2d: {  	s3 =	simm.s32 $0x108;
	s8 =	sld [smem:$0x3FB0]  }
0x2e: {  	s3 =	simm.s32 @!p0 $0x1082;
	s9 =	sld [smem:$0x3FB1]  }
0x2f: {  	lr =	sadd.s32 s0, s3;
	s0 =	sld [smem:$0x3FA8]  }
0x30: {  	s3 =	sld [smem:$0x3FAB]  }
0x31: {  	[smem:$0x3FB4] =	sst s10  }
0x32: {  	s10 =	sld [smem:$0x3FB2];
	_ =	sdelay $0x3  }
0x33: {  	p0 =	seq.s32 s10, $0x1;
	s10 =	sld [smem:$0x3FB4];
	_ =	sdelay $0x3  }
0x34: {  	[smem:$0x3FB4] =	sst s10  }
0x35: {  	s10 =	sld [smem:$0x3FB3];
	_ =	sdelay $0x3  }
0x36: {  	p1 =	seq.s32 s10, $0x1;
	s10 =	sld [smem:$0x3FB4];
	_ =	sdelay $0x3  }
0x37: {  	[smem:$0x3FB4] =	sst s10  }
0x38: {  	s10 =	sld [smem:$0x3FB5]  }
0x39: {  	_ = 	snop;
	(pc) =	sbr.ind lr, $3  }
0x3a: {  	_ = 	snop  }
0x3b: {  	_ = 	snop  }
0x3c: {  	p2 =	seq.s32 s10, $0x1;
	s10 =	sld [smem:$0x3FB4]  }
0x3d: {  	_ =	shalt  }
0x3e: {  	_ =	shalt  }
0x3f: {  	_ =	shalt  }
0x40: {  	_ =	shalt  }
0x41: {  	_ =	shalt  }
0x42: {  	_ =	shalt  }
0x43: {  	_ =	shalt  }
0x44: {  	_ =	shalt  }
0x45: {  	_ =	shalt  }
0x46: {  	_ =	shalt  }
0x47: {  	_ =	shalt  }
0x48: {  	_ =	shalt  }
0x49: {  	_ =	shalt  }
0x4a: {  	_ =	shalt  }
0x4b: {  	_ =	shalt  }
0x4c: {  	_ =	shalt  }
0x4d: {  	_ =	shalt  }
0x4e: {  	_ =	shalt  }
0x4f: {  	_ =	shalt  }
0x50: {  	_ =	shalt  }
0x51: {  	_ =	shalt  }
0x52: {  	_ =	shalt  }
0x53: {  	_ =	shalt  }
0x54: {  	_ =	shalt  }
0x55: {  	_ =	shalt  }
0x56: {  	_ =	shalt  }
0x57: {  	_ =	shalt  }
0x58: {  	_ =	shalt  }
0x59: {  	_ =	shalt  }
0x5a: {  	_ =	shalt  }
0x5b: {  	_ =	shalt  }
0x5c: {  	_ =	shalt  }
0x5d: {  	_ =	shalt  }
0x5e: {  	_ =	shalt  }
0x5f: {  	_ =	shalt  }
0x60: {  	_ =	shalt  }
0x61: {  	_ =	shalt  }
0x62: {  	_ =	shalt  }
0x63: {  	_ =	shalt  }
0x64: {  	_ =	shalt  }
0x65: {  	_ =	shalt  }
0x66: {  	_ =	shalt  }
0x67: {  	_ =	shalt  }
0x68: {  	_ =	shalt  }
0x69: {  	_ =	shalt  }
0x6a: {  	_ =	shalt  }
0x6b: {  	_ =	shalt  }
0x6c: {  	_ =	shalt  }
0x6d: {  	_ =	shalt  }
0x6e: {  	_ =	shalt  }
0x6f: {  	_ =	shalt  }
0x70: {  	_ =	shalt  }
0x71: {  	_ =	shalt  }
0x72: {  	_ =	shalt  }
0x73: {  	_ =	shalt  }
0x74: {  	_ =	shalt  }
0x75: {  	_ =	shalt  }
0x76: {  	_ =	shalt  }
0x77: {  	_ =	shalt  }
0x78: {  	_ =	shalt  }
0x79: {  	_ =	shalt  }
0x7a: {  	_ =	shalt  }
0x7b: {  	_ =	shalt  }
0x7c: {  	_ =	shalt  }
0x7d: {  	_ =	shalt  }
0x7e: {  	_ =	shalt  }
0x7f: {  	_ =	shalt  }
0x80: {  	_ =	shalt  }
0x81: {  	_ =	shalt  }
0x82: {  	_ =	shalt  }
0x83: {  	_ =	shalt  }
0x84: {  	_ =	shalt  }
0x85: {  	_ =	shalt  }
0x86: {  	_ =	shalt  }
0x87: {  	_ =	shalt  }
.Lfunc_end0:
.L_simem_size_0:
called_computation_lowered:
.L_overlay_start_0:
0x88: {  	s2 =	sld [smem:$0x3FD9]  }
0x89: {  	s3 =	sld [smem:$0x3FFE];
	_ =	sdelay $0x1  }
0x8a: {  	s1 =	srdreg.scid  }
0x8b: {  	s0 =	sand.u32 $0x1, s1  }
0x8c: {  	s16 =	sshll.u32 s0, $0xA;
	s2 =	sadd.s32 s3, s2  }
0x8d: {  	s2 =	sadd.s32 s2, s16  }
0x8e: {  	[smem:$0x3FC0] =	sst s2  }
0x8f: {  	_ = 	snop  }
0x90: {  	(tm) =	ssettm $0x1  }
0x91: {  	s17 =	sld [smem:$0x3FFB];
	_ =	sdelay $0x3  }
0x92: {  	_ =	strace s17  }
0x93: {  	s2 =	sld [smem:$0x3FFC];
	_ =	sdelay $0x3  }
0x94: {  	_ =	strace s2  }
0x95: {  	s2 =	sld [smem:$0x3FFD];
	_ =	sdelay $0x3  }
0x96: {  	_ =	strace s2  }
0x97: {  	_ =	strace $0x8FFFFFFF  }
0x98: {  	s18 =	sld [smem:$0x3FDB];
	_ =	sdelay $0x1  }
0x99: {  	s19 =	simm.s32 $_scs_section_size  }
0x9a: {  	s4 =	simm.s32 $_size__tile_overlayer_lowered;
	s5 =	simm.s32 $_tile_overlayer_lowered  }
0x9b: {  	s22 =	simm.s32 $0x1BFF;
	s21 =	sshll.u32 s5, $0x1;
	s2 =	sadd.s32 s19, s18  }
0x9c: {  	s6 =	simm.s32 $0x0;
	s20 =	sshll.u32 s4, $0x1;
	s4 =	sadd.s32 s21, s2  }
0x9d: {  	[timem:s6], [sflag:s22] =	dma.local [hbm:s4], s20  }
0x9e: {  	_ =	swait.ge [sflag:s22], s20  }
0x9f: {  	s3 =	ssub.s32 $0x0, s20;
	[sflag:s22] =	ssyncset.done $0x0  }
0xa0: {  	[sflag:s22] =	ssyncadd.s32 s3;
	_ =	sdelay $0x1  }
0xa1: {  	s23 =	simm.s32 $0x1B8B  }
0xa2: {  	_ =	swait.ge [sflag:s23], $0x1  }
0xa3: {  	[sflag:s23] =	ssyncset.done $0x0  }
0xa4: {  	s25 =	simm.s32 $0x1B8E;
	s24 =	sld [smem:$0x3FFE];
	[sflag:s23] =	ssyncadd.s32 $0xFFFFFFFF  }
0xa5: {  	s26 =	simm.s32 $execute0_lowered;
	[smem:$0x3FD2] =	sst s25  }
0xa6: {  	s4 =	sshll.u32 s26, $0x1;
	_ =	strace $0x80000046;
	[dreg:$0x1] =	wrdreg $0xFFFFFFFF  }
0xa7: {  	s28 =	simm.s32 $_size_execute0_lowered;
	s2 =	sadd.s32 s2, s4;
	[dreg:$0x0] =	wrdreg $0x0  }
0xa8: {  	s4 =	sshll.u32 s28, $0x1;
	[dreg:$0x2] =	wrdreg s2  }
0xa9: {  	[dreg:$0x3] =	wrdreg s4  }
0xaa: {  	[dreg:$0x4] =	wrdreg $0xC0  }
0xab: {  	_ =	task [dreg:s6], $0x5FFFF  }
0xac: {  	[dreg:$0x1] =	wrdreg $0xFFFFFFFF  }
0xad: {  	[dreg:$0x0] =	wrdreg $0x60  }
0xae: {  	[dreg:$0x2] =	wrdreg s24  }
0xaf: {  	[dreg:$0x3] =	wrdreg $0x9  }
0xb0: {  	_ =	task.clear_ibuf [dreg:s6], $0x4FFFF;
	_ =	strace $0x90000046  }
0xb1: {  	s29 =	simm.s32 $0x9;
	_ =	strace $0x80000048  }
0xb2: {  	_ =	swait.ge [sflag:s29], $0x1  }
0xb3: {  	[sflag:s29] =	ssyncadd.s32 $0xFFFFFFFF  }
0xb4: {  	_ =	strace $0x90000048  }
0xb5: {  	_ =	sfence  }
0xb6: {  	s30 =	sld [smem:$0x0];
	_ =	sdelay $0x2  }
0xb7: {  	s31 =	sshll.u32 s1, $0xD;
	s1 =	sshrl.u32 s1, $0x2  }
0xb8: {  	s3 =	sand.u32 $0x4000, s31;
	s1 =	sadd.s32 s1, s30  }
0xb9: {  	s0 =	sor.u32 s3, s0;
	s1 =	sshll.u32 s1, $0x11  }
0xba: {  	s0 =	sor.u32 s1, s0  }
0xbb: {  	s0 =	sadd.s32 $0x8F2B, s0  }
0xbc: {  	[sflag:s0] =	ssyncadd.remote.s32 $0x1  }
0xbd: {  	_ =	sfence.sel $0xFFFF  }
0xbe: {  	[dreg:$0x0] =	wrdreg $0xFFFFFFFF;
	(pc) =	sbr.abs _section_cstart, $3  }
0xbf: {  	[dreg:$0x1] =	wrdreg $0xFFFFFFFF  }
0xc0: {  	_ =	task.clear_ibuf [dreg:s6], $0x2FFFF;
	_ =	strace $0x9FFFFFFF  }
0xc1: {  	(tm) =	ssettm $0x7FFFFFFF  }
tec
execute0_lowered:
.L_overlay_start_1:
0x0: {  	(tag) =	ssettag $0x1  }
0x1: {  	s1 =	srdreg.scid  }
0x2: {  	s0 =	stileid.u32;
	s1 =	sand.u32 $0x1, s1  }
0x3: {  	s2 =	sshll.u32 s0, $0xA;
	s3 =	sshll.u32 s1, $0x9  }
0x4: {  	s3 =	sor.u32 s3, s2  }
0x5: {  	s8 =	rddreg [dreg:$0x0];
	s2 =	simm.s32 $0x0;
	s4 =	sshrl.u32 s3, $0x3  }
0x6: {  	s25 =	simm.s32 $0x100;
	[smem:$0x7FF] =	sst s2;
	s4 =	sadd.s32 s4, s8  }
0x7: {  	_ =	strace $0x80000047;
	[dreg:$0xb] =	wrdreg s25;
	s5 =	sadd.s32 $0x1200, s4  }
0x8: {  	s18 =	sadd.s32 $0x1A00, s4;
	[dreg:$0x2] =	wrdreg s5  }
0x9: {  	s19 =	sadd.s32 $0x2200, s4;
	[dreg:$0x3] =	wrdreg s18  }
0xa: {  	s3 =	sshll.u32 s3, $0x4;
	s20 =	sadd.s32 $0x2A00, s4;
	[dreg:$0x4] =	wrdreg s19  }
0xb: {  	s3 =	sadd.s32 s3, s8;
	s4 =	sadd.s32 $0x3200, s4;
	[dreg:$0x5] =	wrdreg s20  }
0xc: {  	s21 =	sadd.s32 $0x3A00, s3;
	[dreg:$0x6] =	wrdreg s4  }
0xd: {  	s22 =	sadd.s32 $0x4200, s3;
	[dreg:$0x7] =	wrdreg s21  }
0xe: {  	s23 =	sadd.s32 $0x4A00, s3;
	[dreg:$0x8] =	wrdreg s22  }
0xf: {  	s3 =	sadd.s32 $0x5200, s3;
	[dreg:$0x9] =	wrdreg s23  }
0x10: {  	[dreg:$0xa] =	wrdreg s3  }
0x11: {  	s3 =	simm.s32 $0x5;
	s24 =	rddreg [dreg:$0x2]  }
0x12: {  	[tilespmem:s2], [sflag:$0x5] =	stream.linear.gather [hbm4b:s24+s2], $0x200, $0x38;
	[tilespmem:$0x10A00] =	vst v63  }
0x13: {  	_ =	swait.ge [sflag:s3], $0x200  }
0x14: {  	[sflag:s3] =	ssyncset.done $0x0  }
0x15: {  	s4 =	simm.s32 $0x200;
	s26 =	rddreg [dreg:$0x3];
	[sflag:s3] =	ssyncadd.s32 $0xFFFFFE00  }
0x16: {  	[tilespmem:s4], [sflag:$0x5] =	stream.linear.gather [hbm4b:s26+s2], $0x200, $0x38;
	[tilespmem:$0x10A00] =	vst v63  }
0x17: {  	_ =	swait.ge [sflag:s3], $0x200  }
0x18: {  	[sflag:s3] =	ssyncset.done $0x0  }
0x19: {  	s5 =	simm.s32 $0x400;
	s6 =	rddreg [dreg:$0x4];
	[sflag:s3] =	ssyncadd.s32 $0xFFFFFE00  }
0x1a: {  	[tilespmem:s5], [sflag:$0x5] =	stream.linear.gather [hbm4b:s6+s2], $0x200, $0x38;
	[tilespmem:$0x10A00] =	vst v63  }
0x1b: {  	_ =	swait.ge [sflag:s3], $0x200  }
0x1c: {  	[sflag:s3] =	ssyncset.done $0x0  }
0x1d: {  	s6 =	simm.s32 $0x600;
	s7 =	rddreg [dreg:$0x5];
	[sflag:s3] =	ssyncadd.s32 $0xFFFFFE00  }
0x1e: {  	[tilespmem:s6], [sflag:$0x5] =	stream.linear.gather [hbm4b:s7+s2], $0x200, $0x38;
	[tilespmem:$0x10A00] =	vst v63  }
0x1f: {  	_ =	swait.ge [sflag:s3], $0x200  }
0x20: {  	[sflag:s3] =	ssyncset.done $0x0  }
0x21: {  	s7 =	simm.s32 $0x800;
	s9 =	rddreg [dreg:$0x6];
	[sflag:s3] =	ssyncadd.s32 $0xFFFFFE00  }
0x22: {  	[tilespmem:s7], [sflag:$0x5] =	stream.linear.gather [hbm4b:s9+s2], $0x200, $0x38;
	[tilespmem:$0x10A00] =	vst v63  }
0x23: {  	_ =	swait.ge [sflag:s3], $0x200  }
0x24: {  	s10 =	simm.s32 $0xA00;
	[sflag:s3] =	ssyncset.done $0x0  }
0x25: {  	s8 =	sadd.s32 $0x187C00, s8;
	s9 =	simm.s32 $0x80;
	[sflag:s3] =	ssyncadd.s32 $0xFFFFFE00  }
0x26: {  	[tilespmem:s10], [sflag:$0x1] =	stream.indirect.gather [hbm4b:s8+s9], $0x80, s2, s9, $0xb8;
	[tilespmem:$0x10A00] =	vst v63  }
0x27: {  	s11 =	simm.s32 $0x4A00  }
0x28: {  	[tilespmem:s11], [sflag:$0x2] =	stream.indirect.gather [hbm4b:s8+s9], $0x80, s9, s9, $0xb8;
	[tilespmem:$0x10A00] =	vst v63  }
0x29: {  	s12 =	simm.s32 $0x8A00;
	s13 =	rddreg [dreg:$0xb]  }
0x2a: {  	[tilespmem:s12], [sflag:$0x3] =	stream.indirect.gather [hbm4b:s8+s9], $0x80, s13, s9, $0xb8;
	[tilespmem:$0x10A00] =	vst v63  }
0x2b: {  	s14 =	simm.s32 $0xCA00;
	s15 =	simm.s32 $0x1;
	s13 =	simm.s32 $0x180  }
0x2c: {  	[tilespmem:s14], [sflag:$0x4] =	stream.indirect.gather [hbm4b:s8+s9], $0x80, s13, s9, $0xb8;
	[tilespmem:$0x10A00] =	vst v63  }
0x2d: {  	_ =	swait.ge [sflag:s15], $0x4000  }
0x2e: {  	[sflag:s15] =	ssyncset.done $0x0  }
0x2f: {  	s16 =	simm.s32 $0x2;
	[sflag:s15] =	ssyncadd.s32 $0xFFFFC000  }
0x30: {  	[tilespmem:s10], [sflag:$0x1] =	stream.indirect.gather.add.f32 [hbm:s8], $0x80, s4, s9, $0xb8;
	[tilespmem:$0x10A00] =	vst v63  }
0x31: {  	_ =	swait.ge [sflag:s16], $0x4000  }
0x32: {  	[sflag:s16] =	ssyncset.done $0x0  }
0x33: {  	s17 =	simm.s32 $0x280;
	s18 =	simm.s32 $0x3;
	[sflag:s16] =	ssyncadd.s32 $0xFFFFC000  }
0x34: {  	[tilespmem:s11], [sflag:$0x2] =	stream.indirect.gather.add.f32 [hbm:s8], $0x80, s17, s9, $0xb8;
	[tilespmem:$0x10A00] =	vst v63  }
0x35: {  	_ =	swait.ge [sflag:s18], $0x4000  }
0x36: {  	[sflag:s18] =	ssyncset.done $0x0  }
0x37: {  	s20 =	simm.s32 $0x300;
	s19 =	simm.s32 $0x4;
	[sflag:s18] =	ssyncadd.s32 $0xFFFFC000  }
0x38: {  	[tilespmem:s12], [sflag:$0x3] =	stream.indirect.gather.add.f32 [hbm:s8], $0x80, s20, s9, $0xb8;
	[tilespmem:$0x10A00] =	vst v63  }
0x39: {  	_ =	swait.ge [sflag:s19], $0x4000  }
0x3a: {  	[sflag:s19] =	ssyncset.done $0x0  }
0x3b: {  	s21 =	simm.s32 $0x380;
	[sflag:s19] =	ssyncadd.s32 $0xFFFFC000  }
0x3c: {  	[tilespmem:s14], [sflag:$0x4] =	stream.indirect.gather.add.f32 [hbm:s8], $0x80, s21, s9, $0xb8;
	[tilespmem:$0x10A00] =	vst v63  }
0x3d: {  	_ =	swait.ge [sflag:s15], $0x4000  }
0x3e: {  	[sflag:s15] =	ssyncset.done $0x0  }
0x3f: {  	[sflag:s15] =	ssyncadd.s32 $0xFFFFC000  }
0x40: {  	[tilespmem:s10], [sflag:$0x1] =	stream.indirect.gather.add.f32 [hbm:s8], $0x80, s5, s9, $0xb8;
	[tilespmem:$0x10A00] =	vst v63  }
0x41: {  	_ =	swait.ge [sflag:s16], $0x4000  }
0x42: {  	[sflag:s16] =	ssyncset.done $0x0  }
0x43: {  	s22 =	simm.s32 $0x480;
	[sflag:s16] =	ssyncadd.s32 $0xFFFFC000  }
0x44: {  	[tilespmem:s11], [sflag:$0x2] =	stream.indirect.gather.add.f32 [hbm:s8], $0x80, s22, s9, $0xb8;
	[tilespmem:$0x10A00] =	vst v63  }
0x45: {  	_ =	swait.ge [sflag:s18], $0x4000  }
0x46: {  	[sflag:s18] =	ssyncset.done $0x0  }
0x47: {  	s23 =	simm.s32 $0x500;
	[sflag:s18] =	ssyncadd.s32 $0xFFFFC000  }
0x48: {  	[tilespmem:s12], [sflag:$0x3] =	stream.indirect.gather.add.f32 [hbm:s8], $0x80, s23, s9, $0xb8;
	[tilespmem:$0x10A00] =	vst v63  }
0x49: {  	_ =	swait.ge [sflag:s19], $0x4000  }
0x4a: {  	[sflag:s19] =	ssyncset.done $0x0  }
0x4b: {  	s24 =	simm.s32 $0x580;
	[sflag:s19] =	ssyncadd.s32 $0xFFFFC000  }
0x4c: {  	[tilespmem:s14], [sflag:$0x4] =	stream.indirect.gather.add.f32 [hbm:s8], $0x80, s24, s9, $0xb8;
	[tilespmem:$0x10A00] =	vst v63  }
0x4d: {  	_ =	swait.ge [sflag:s15], $0x4000  }
0x4e: {  	[sflag:s15] =	ssyncset.done $0x0  }
0x4f: {  	[sflag:s15] =	ssyncadd.s32 $0xFFFFC000  }
0x50: {  	[tilespmem:s10], [sflag:$0x1] =	stream.indirect.gather.add.f32 [hbm:s8], $0x80, s6, s9, $0xb8;
	[tilespmem:$0x10A00] =	vst v63  }
0x51: {  	_ =	swait.ge [sflag:s16], $0x4000  }
0x52: {  	[sflag:s16] =	ssyncset.done $0x0  }
0x53: {  	s25 =	simm.s32 $0x680;
	[sflag:s16] =	ssyncadd.s32 $0xFFFFC000  }
0x54: {  	[tilespmem:s11], [sflag:$0x2] =	stream.indirect.gather.add.f32 [hbm:s8], $0x80, s25, s9, $0xb8;
	[tilespmem:$0x10A00] =	vst v63  }
0x55: {  	_ =	swait.ge [sflag:s18], $0x4000  }
0x56: {  	[sflag:s18] =	ssyncset.done $0x0  }
0x57: {  	s26 =	simm.s32 $0x700;
	[sflag:s18] =	ssyncadd.s32 $0xFFFFC000  }
0x58: {  	[tilespmem:s12], [sflag:$0x3] =	stream.indirect.gather.add.f32 [hbm:s8], $0x80, s26, s9, $0xb8;
	[tilespmem:$0x10A00] =	vst v63  }
0x59: {  	_ =	swait.ge [sflag:s19], $0x4000  }
0x5a: {  	[sflag:s19] =	ssyncset.done $0x0  }
0x5b: {  	s28 =	simm.s32 $0x780;
	[sflag:s19] =	ssyncadd.s32 $0xFFFFC000  }
0x5c: {  	[tilespmem:s14], [sflag:$0x4] =	stream.indirect.gather.add.f32 [hbm:s8], $0x80, s28, s9, $0xb8;
	[tilespmem:$0x10A00] =	vst v63  }
0x5d: {  	_ =	swait.ge [sflag:s15], $0x4000  }
0x5e: {  	[sflag:s15] =	ssyncset.done $0x0  }
0x5f: {  	[sflag:s15] =	ssyncadd.s32 $0xFFFFC000  }
0x60: {  	[tilespmem:s10], [sflag:$0x1] =	stream.indirect.gather.add.f32 [hbm:s8], $0x80, s7, s9, $0xb8;
	[tilespmem:$0x10A00] =	vst v63  }
0x61: {  	_ =	swait.ge [sflag:s16], $0x4000  }
0x62: {  	[sflag:s16] =	ssyncset.done $0x0  }
0x63: {  	s29 =	simm.s32 $0x880;
	[sflag:s16] =	ssyncadd.s32 $0xFFFFC000  }
0x64: {  	[tilespmem:s11], [sflag:$0x2] =	stream.indirect.gather.add.f32 [hbm:s8], $0x80, s29, s9, $0xb8;
	[tilespmem:$0x10A00] =	vst v63  }
0x65: {  	_ =	swait.ge [sflag:s18], $0x4000  }
0x66: {  	[sflag:s18] =	ssyncset.done $0x0  }
0x67: {  	s30 =	simm.s32 $0x900;
	[sflag:s18] =	ssyncadd.s32 $0xFFFFC000  }
0x68: {  	[tilespmem:s12], [sflag:$0x3] =	stream.indirect.gather.add.f32 [hbm:s8], $0x80, s30, s9, $0xb8;
	[tilespmem:$0x10A00] =	vst v63  }
0x69: {  	_ =	swait.ge [sflag:s19], $0x4000  }
0x6a: {  	[sflag:s19] =	ssyncset.done $0x0  }
0x6b: {  	s31 =	simm.s32 $0x980;
	[sflag:s19] =	ssyncadd.s32 $0xFFFFC000  }
0x6c: {  	[tilespmem:s14], [sflag:$0x4] =	stream.indirect.gather.add.f32 [hbm:s8], $0x80, s31, s9, $0xb8;
	[tilespmem:$0x10A00] =	vst v63  }
0x6d: {  	_ =	swait.ge [sflag:s15], $0x4000  }
0x6e: {  	[sflag:s15] =	ssyncset.done $0x0  }
0x6f: {  	s0 =	rddreg [dreg:$0x7];
	[sflag:s15] =	ssyncadd.s32 $0xFFFFC000  }
0x70: {  	[hbm4b:s0+s2] =	stream.linear.scatter [tilespmem:s10], [sflag:$0x1], $0x4000, $0x38;
	[tilespmem:$0x10A00] =	vst v63  }
0x71: {  	_ =	swait.ge [sflag:s16], $0x4000  }
0x72: {  	[sflag:s16] =	ssyncset.done $0x0  }
0x73: {  	s0 =	rddreg [dreg:$0x8];
	[sflag:s16] =	ssyncadd.s32 $0xFFFFC000  }
0x74: {  	[hbm4b:s0+s2] =	stream.linear.scatter [tilespmem:s11], [sflag:$0x2], $0x4000, $0x38;
	[tilespmem:$0x10A00] =	vst v63  }
0x75: {  	_ =	swait.ge [sflag:s18], $0x4000  }
0x76: {  	[sflag:s18] =	ssyncset.done $0x0  }
0x77: {  	s0 =	rddreg [dreg:$0x9];
	[sflag:s18] =	ssyncadd.s32 $0xFFFFC000  }
0x78: {  	[hbm4b:s0+s2] =	stream.linear.scatter [tilespmem:s12], [sflag:$0x3], $0x4000, $0x38;
	[tilespmem:$0x10A00] =	vst v63  }
0x79: {  	_ =	swait.ge [sflag:s19], $0x4000  }
0x7a: {  	[sflag:s19] =	ssyncset.done $0x0  }
0x7b: {  	s0 =	rddreg [dreg:$0xa];
	[sflag:s19] =	ssyncadd.s32 $0xFFFFC000  }
0x7c: {  	[hbm4b:s0+s2] =	stream.linear.scatter [tilespmem:s14], [sflag:$0x4], $0x4000, $0x38;
	[tilespmem:$0x10A00] =	vst v63  }
0x7d: {  	s0 =	ssub.s32 $0x2, s1;
	_ =	swait.ge [sflag:s15], $0x4000  }
0x7e: {  	s1 =	sshrl.u32 s0, $0x1;
	[sflag:s15] =	ssyncset.done $0x0  }
0x7f: {  	s0 =	ssub.s32 s0, s1;
	[sflag:s15] =	ssyncadd.s32 $0xFFFFC000  }
0x80: {  	s0 =	smax.u32 s0, $0x1;
	_ =	swait.ge [sflag:s16], $0x4000  }
0x81: {  	p0 =	sne.s32 s0, $0x1;
	[sflag:s16] =	ssyncset.done $0x0  }
.Ltmp0:
0x82: {  	[sflag:s16] =	ssyncadd.s32 $0xFFFFC000;
	(pc) =	sbr.rel @!p0 .LBB2_2-.Ltmp0, $4  }
0x83: {  	_ =	swait.ge [sflag:s18], $0x4000  }
0x84: {  	[sflag:s18] =	ssyncset.done $0x0  }
0x85: {  	[sflag:s18] =	ssyncadd.s32 $0xFFFFC000  }
0x86: {  	s1 =	sadd.s32 $0xFFFFFFFF, s0;
	_ =	swait.ge [sflag:s19], $0x4000  }
.LBB2_1:
0x87: {  	[sflag:s19] =	ssyncset.done $0x0  }
0x88: {  	s0 =	rddreg [dreg:$0x2];
	[sflag:s19] =	ssyncadd.s32 $0xFFFFC000  }
0x89: {  	[tilespmem:s2], [sflag:$0x5] =	stream.linear.gather [hbm4b:s0+s2], $0x200, $0x38;
	[tilespmem:$0x10A00] =	vst v63  }
0x8a: {  	_ =	swait.ge [sflag:s3], $0x200  }
0x8b: {  	[sflag:s3] =	ssyncset.done $0x0  }
0x8c: {  	s0 =	rddreg [dreg:$0x3];
	[sflag:s3] =	ssyncadd.s32 $0xFFFFFE00  }
0x8d: {  	[tilespmem:s4], [sflag:$0x5] =	stream.linear.gather [hbm4b:s0+s2], $0x200, $0x38;
	[tilespmem:$0x10A00] =	vst v63  }
0x8e: {  	_ =	swait.ge [sflag:s3], $0x200  }
0x8f: {  	[sflag:s3] =	ssyncset.done $0x0  }
0x90: {  	s0 =	rddreg [dreg:$0x4];
	[sflag:s3] =	ssyncadd.s32 $0xFFFFFE00  }
0x91: {  	[tilespmem:s5], [sflag:$0x5] =	stream.linear.gather [hbm4b:s0+s2], $0x200, $0x38;
	[tilespmem:$0x10A00] =	vst v63  }
0x92: {  	_ =	swait.ge [sflag:s3], $0x200  }
0x93: {  	[sflag:s3] =	ssyncset.done $0x0  }
0x94: {  	s0 =	rddreg [dreg:$0x5];
	[sflag:s3] =	ssyncadd.s32 $0xFFFFFE00  }
0x95: {  	[tilespmem:s6], [sflag:$0x5] =	stream.linear.gather [hbm4b:s0+s2], $0x200, $0x38;
	[tilespmem:$0x10A00] =	vst v63  }
0x96: {  	_ =	swait.ge [sflag:s3], $0x200  }
0x97: {  	[sflag:s3] =	ssyncset.done $0x0  }
0x98: {  	s0 =	rddreg [dreg:$0x6];
	[sflag:s3] =	ssyncadd.s32 $0xFFFFFE00  }
0x99: {  	[tilespmem:s7], [sflag:$0x5] =	stream.linear.gather [hbm4b:s0+s2], $0x200, $0x38;
	[tilespmem:$0x10A00] =	vst v63  }
0x9a: {  	_ =	swait.ge [sflag:s3], $0x200  }
0x9b: {  	[sflag:s3] =	ssyncset.done $0x0  }
0x9c: {  	[sflag:s3] =	ssyncadd.s32 $0xFFFFFE00  }
0x9d: {  	[tilespmem:s10], [sflag:$0x1] =	stream.indirect.gather [hbm4b:s8+s9], $0x80, s2, s9, $0xb8;
	[tilespmem:$0x10A00] =	vst v63  }
0x9e: {  	_ = 	snop  }
0x9f: {  	[tilespmem:s11], [sflag:$0x2] =	stream.indirect.gather [hbm4b:s8+s9], $0x80, s9, s9, $0xb8;
	[tilespmem:$0x10A00] =	vst v63  }
0xa0: {  	s0 =	rddreg [dreg:$0xb]  }
0xa1: {  	[tilespmem:s12], [sflag:$0x3] =	stream.indirect.gather [hbm4b:s8+s9], $0x80, s0, s9, $0xb8;
	[tilespmem:$0x10A00] =	vst v63  }
0xa2: {  	_ = 	snop  }
0xa3: {  	[tilespmem:s14], [sflag:$0x4] =	stream.indirect.gather [hbm4b:s8+s9], $0x80, s13, s9, $0xb8;
	[tilespmem:$0x10A00] =	vst v63  }
0xa4: {  	_ =	swait.ge [sflag:s15], $0x4000  }
0xa5: {  	[sflag:s15] =	ssyncset.done $0x0  }
0xa6: {  	[sflag:s15] =	ssyncadd.s32 $0xFFFFC000  }
0xa7: {  	[tilespmem:s10], [sflag:$0x1] =	stream.indirect.gather.add.f32 [hbm:s8], $0x80, s4, s9, $0xb8;
	[tilespmem:$0x10A00] =	vst v63  }
0xa8: {  	_ =	swait.ge [sflag:s16], $0x4000  }
0xa9: {  	[sflag:s16] =	ssyncset.done $0x0  }
0xaa: {  	[sflag:s16] =	ssyncadd.s32 $0xFFFFC000  }
0xab: {  	[tilespmem:s11], [sflag:$0x2] =	stream.indirect.gather.add.f32 [hbm:s8], $0x80, s17, s9, $0xb8;
	[tilespmem:$0x10A00] =	vst v63  }
0xac: {  	_ =	swait.ge [sflag:s18], $0x4000  }
0xad: {  	[sflag:s18] =	ssyncset.done $0x0  }
0xae: {  	[sflag:s18] =	ssyncadd.s32 $0xFFFFC000  }
0xaf: {  	[tilespmem:s12], [sflag:$0x3] =	stream.indirect.gather.add.f32 [hbm:s8], $0x80, s20, s9, $0xb8;
	[tilespmem:$0x10A00] =	vst v63  }
0xb0: {  	_ =	swait.ge [sflag:s19], $0x4000  }
0xb1: {  	[sflag:s19] =	ssyncset.done $0x0  }
0xb2: {  	[sflag:s19] =	ssyncadd.s32 $0xFFFFC000  }
0xb3: {  	[tilespmem:s14], [sflag:$0x4] =	stream.indirect.gather.add.f32 [hbm:s8], $0x80, s21, s9, $0xb8;
	[tilespmem:$0x10A00] =	vst v63  }
0xb4: {  	_ =	swait.ge [sflag:s15], $0x4000  }
0xb5: {  	[sflag:s15] =	ssyncset.done $0x0  }
0xb6: {  	[sflag:s15] =	ssyncadd.s32 $0xFFFFC000  }
0xb7: {  	[tilespmem:s10], [sflag:$0x1] =	stream.indirect.gather.add.f32 [hbm:s8], $0x80, s5, s9, $0xb8;
	[tilespmem:$0x10A00] =	vst v63  }
0xb8: {  	_ =	swait.ge [sflag:s16], $0x4000  }
0xb9: {  	[sflag:s16] =	ssyncset.done $0x0  }
0xba: {  	[sflag:s16] =	ssyncadd.s32 $0xFFFFC000  }
0xbb: {  	[tilespmem:s11], [sflag:$0x2] =	stream.indirect.gather.add.f32 [hbm:s8], $0x80, s22, s9, $0xb8;
	[tilespmem:$0x10A00] =	vst v63  }
0xbc: {  	_ =	swait.ge [sflag:s18], $0x4000  }
0xbd: {  	[sflag:s18] =	ssyncset.done $0x0  }
0xbe: {  	[sflag:s18] =	ssyncadd.s32 $0xFFFFC000  }
0xbf: {  	[tilespmem:s12], [sflag:$0x3] =	stream.indirect.gather.add.f32 [hbm:s8], $0x80, s23, s9, $0xb8;
	[tilespmem:$0x10A00] =	vst v63  }
0xc0: {  	_ =	swait.ge [sflag:s19], $0x4000  }
0xc1: {  	[sflag:s19] =	ssyncset.done $0x0  }
0xc2: {  	[sflag:s19] =	ssyncadd.s32 $0xFFFFC000  }
0xc3: {  	[tilespmem:s14], [sflag:$0x4] =	stream.indirect.gather.add.f32 [hbm:s8], $0x80, s24, s9, $0xb8;
	[tilespmem:$0x10A00] =	vst v63  }
0xc4: {  	_ =	swait.ge [sflag:s15], $0x4000  }
0xc5: {  	[sflag:s15] =	ssyncset.done $0x0  }
0xc6: {  	[sflag:s15] =	ssyncadd.s32 $0xFFFFC000  }
0xc7: {  	[tilespmem:s10], [sflag:$0x1] =	stream.indirect.gather.add.f32 [hbm:s8], $0x80, s6, s9, $0xb8;
	[tilespmem:$0x10A00] =	vst v63  }
0xc8: {  	_ =	swait.ge [sflag:s16], $0x4000  }
0xc9: {  	[sflag:s16] =	ssyncset.done $0x0  }
0xca: {  	[sflag:s16] =	ssyncadd.s32 $0xFFFFC000  }
0xcb: {  	[tilespmem:s11], [sflag:$0x2] =	stream.indirect.gather.add.f32 [hbm:s8], $0x80, s25, s9, $0xb8;
	[tilespmem:$0x10A00] =	vst v63  }
0xcc: {  	_ =	swait.ge [sflag:s18], $0x4000  }
0xcd: {  	[sflag:s18] =	ssyncset.done $0x0  }
0xce: {  	[sflag:s18] =	ssyncadd.s32 $0xFFFFC000  }
0xcf: {  	[tilespmem:s12], [sflag:$0x3] =	stream.indirect.gather.add.f32 [hbm:s8], $0x80, s26, s9, $0xb8;
	[tilespmem:$0x10A00] =	vst v63  }
0xd0: {  	_ =	swait.ge [sflag:s19], $0x4000  }
0xd1: {  	[sflag:s19] =	ssyncset.done $0x0  }
0xd2: {  	[sflag:s19] =	ssyncadd.s32 $0xFFFFC000  }
0xd3: {  	[tilespmem:s14], [sflag:$0x4] =	stream.indirect.gather.add.f32 [hbm:s8], $0x80, s28, s9, $0xb8;
	[tilespmem:$0x10A00] =	vst v63  }
0xd4: {  	_ =	swait.ge [sflag:s15], $0x4000  }
0xd5: {  	[sflag:s15] =	ssyncset.done $0x0  }
0xd6: {  	[sflag:s15] =	ssyncadd.s32 $0xFFFFC000  }
0xd7: {  	[tilespmem:s10], [sflag:$0x1] =	stream.indirect.gather.add.f32 [hbm:s8], $0x80, s7, s9, $0xb8;
	[tilespmem:$0x10A00] =	vst v63  }
0xd8: {  	_ =	swait.ge [sflag:s16], $0x4000  }
0xd9: {  	[sflag:s16] =	ssyncset.done $0x0  }
0xda: {  	[sflag:s16] =	ssyncadd.s32 $0xFFFFC000  }
0xdb: {  	[tilespmem:s11], [sflag:$0x2] =	stream.indirect.gather.add.f32 [hbm:s8], $0x80, s29, s9, $0xb8;
	[tilespmem:$0x10A00] =	vst v63  }
0xdc: {  	_ =	swait.ge [sflag:s18], $0x4000  }
0xdd: {  	[sflag:s18] =	ssyncset.done $0x0  }
0xde: {  	[sflag:s18] =	ssyncadd.s32 $0xFFFFC000  }
0xdf: {  	[tilespmem:s12], [sflag:$0x3] =	stream.indirect.gather.add.f32 [hbm:s8], $0x80, s30, s9, $0xb8;
	[tilespmem:$0x10A00] =	vst v63  }
0xe0: {  	_ =	swait.ge [sflag:s19], $0x4000  }
0xe1: {  	[sflag:s19] =	ssyncset.done $0x0  }
0xe2: {  	[sflag:s19] =	ssyncadd.s32 $0xFFFFC000  }
0xe3: {  	[tilespmem:s14], [sflag:$0x4] =	stream.indirect.gather.add.f32 [hbm:s8], $0x80, s31, s9, $0xb8;
	[tilespmem:$0x10A00] =	vst v63  }
0xe4: {  	_ =	swait.ge [sflag:s15], $0x4000  }
0xe5: {  	[sflag:s15] =	ssyncset.done $0x0  }
0xe6: {  	s0 =	rddreg [dreg:$0x7];
	[sflag:s15] =	ssyncadd.s32 $0xFFFFC000  }
0xe7: {  	[hbm4b:s0+s2] =	stream.linear.scatter [tilespmem:s10], [sflag:$0x1], $0x4000, $0x38;
	[tilespmem:$0x10A00] =	vst v63  }
0xe8: {  	_ =	swait.ge [sflag:s16], $0x4000  }
0xe9: {  	[sflag:s16] =	ssyncset.done $0x0  }
0xea: {  	s0 =	rddreg [dreg:$0x8];
	[sflag:s16] =	ssyncadd.s32 $0xFFFFC000  }
0xeb: {  	[hbm4b:s0+s2] =	stream.linear.scatter [tilespmem:s11], [sflag:$0x2], $0x4000, $0x38;
	[tilespmem:$0x10A00] =	vst v63  }
0xec: {  	_ =	swait.ge [sflag:s18], $0x4000  }
0xed: {  	[sflag:s18] =	ssyncset.done $0x0  }
0xee: {  	s0 =	rddreg [dreg:$0x9];
	[sflag:s18] =	ssyncadd.s32 $0xFFFFC000  }
0xef: {  	[hbm4b:s0+s2] =	stream.linear.scatter [tilespmem:s12], [sflag:$0x3], $0x4000, $0x38;
	[tilespmem:$0x10A00] =	vst v63  }
0xf0: {  	_ =	swait.ge [sflag:s19], $0x4000  }
0xf1: {  	[sflag:s19] =	ssyncset.done $0x0  }
0xf2: {  	s0 =	rddreg [dreg:$0xa];
	[sflag:s19] =	ssyncadd.s32 $0xFFFFC000  }
0xf3: {  	[hbm4b:s0+s2] =	stream.linear.scatter [tilespmem:s14], [sflag:$0x4], $0x4000, $0x38;
	[tilespmem:$0x10A00] =	vst v63  }
0xf4: {  	_ =	swait.ge [sflag:s15], $0x4000  }
0xf5: {  	[sflag:s15] =	ssyncset.done $0x0  }
0xf6: {  	[sflag:s15] =	ssyncadd.s32 $0xFFFFC000  }
0xf7: {  	_ =	swait.ge [sflag:s16], $0x4000  }
0xf8: {  	p0 =	sne.s32 s1, $0x1;
	[sflag:s16] =	ssyncset.done $0x0  }
.Ltmp1:
0xf9: {  	[sflag:s16] =	ssyncadd.s32 $0xFFFFC000;
	(pc) =	sbr.rel @p0 .LBB2_1-.Ltmp1, $4  }
0xfa: {  	_ =	swait.ge [sflag:s18], $0x4000  }
0xfb: {  	[sflag:s18] =	ssyncset.done $0x0  }
0xfc: {  	[sflag:s18] =	ssyncadd.s32 $0xFFFFC000  }
0xfd: {  	s1 =	sadd.s32 $0xFFFFFFFF, s1;
	_ =	swait.ge [sflag:s19], $0x4000  }
.LBB2_2:
0xfe: {  	[sflag:s19] =	ssyncset.done $0x0  }
0xff: {  	[sflag:s19] =	ssyncadd.s32 $0xFFFFC000  }
0x100: {  	_ =	sfence.sel $0x180000  }
0x101: {  	[bflag:$0x0] =	sbarrier.arrive $0xFFFF  }
0x102: {  	_ =	strace $0x90000047  }
0x103: {  	s0 =	stileid.u32;
	[bflag:$0x2] =	sbarrier.arrive $0xFFFF  }
0x104: {  	p0 =	sne.s32 s0, $0x0;
	s0 =	rddreg [dreg:$0x1]  }
0x105: {  	s0 =	sadd.s32 @!p0 $0x100000, s0  }
0x106: {  	[sflag:s0] =	ssyncadd.tile.s32 @!p0 $0x1;
	_ =	shalt  }
.Lfunc_end2:
_tile_overlayer_lowered:
.L_overlay_start_2:
0x107: {  	(tag) =	ssettag $0x2  }
0x108: {  	s0 =	rddreg [dreg:$0x0];
	s2 =	stileid.u32  }
0x109: {  	s1 =	rddreg [dreg:$0x1];
	p0 =	sne.s32 s2, $0x0  }
0x10a: {  	s3 =	rddreg [dreg:$0x2];
	[bflag:$0x3] =	sbarrier.arrive $0xFFFF;
	s2 =	simm.s32 @!p0 $0x1C05  }
0x10b: {  	[timem:s3], [sflag:s2] =	dma.local @!p0 [hbm:s0], s1  }
0x10c: {  	s0 =	simm.s32 @!p0 $0x5  }
0x10d: {  	_ =	swait.ge @!p0 [sflag:s0], s1  }
0x10e: {  	s1 =	ssub.s32 @!p0 $0x0, s1;
	[sflag:s0] =	ssyncset.done @!p0 $0x0  }
0x10f: {  	[sflag:s0] =	ssyncadd.s32 @!p0 s1  }
0x110: {  	[bflag:$0x3] =	sbarrier.arrive $0xFFFF  }
0x111: {  	_ =	shalt  }

</sc_bundles>
